<compile_context>
chip_gen: v7x
topology: tpu7x:2x2x1
jax: 0.10.2.dev20260603
libtpu: 0.0.44.dev20260713+nightly
codegen_flags: <defaults>
</compile_context>

<pallas_src>
import functools

import jax
import jax.numpy as jnp
from jax import lax
from jax.experimental import pallas as pl
from jax.experimental.pallas import tpu as pltpu
from jax.experimental.pallas import tpu_sc as plsc

_CH = 32
_LANES = 16
_TC_ROWS = 10240
_TC_BLK = 2048


def _gather_mm(x_ref, m_ref, o_ref):
    o_ref[...] = jnp.dot(x_ref[...], m_ref[...],
                         preferred_element_type=jnp.float32)


def _tc_part(x, inds):
    n_rows, n_cols = x.shape
    k = inds.shape[0]
    m = (inds[None, :] == jnp.arange(n_cols, dtype=inds.dtype)[:, None])
    m = m.astype(x.dtype)
    return pl.pallas_call(
        _gather_mm,
        grid=(_TC_ROWS // _TC_BLK,),
        in_specs=[
            pl.BlockSpec((_TC_BLK, n_cols), lambda i: (i, 0)),
            pl.BlockSpec((n_cols, k), lambda i: (0, 0)),
        ],
        out_specs=pl.BlockSpec((_TC_BLK, k), lambda i: (i, 0)),
        out_shape=jax.ShapeDtypeStruct((_TC_ROWS, k), x.dtype),
    )(x, m)


def _sc_part(x, inds):
    n_rows, n_cols = x.shape
    k = inds.shape[0]
    n_groups = k // _LANES
    blk0 = _TC_ROWS // _CH
    mesh = plsc.VectorSubcoreMesh(core_axis_name="c", subcore_axis_name="s")

    @functools.partial(
        pl.kernel,
        out_type=jax.ShapeDtypeStruct((n_rows, k), x.dtype),
        mesh=mesh,
        scratch_types=[pltpu.VMEM((k,), jnp.int32)],
        compiler_params=pltpu.CompilerParams(needs_layout_passes=False),
    )
    def sc_gather(x_hbm, inds_hbm, o_hbm, inds_v):
        pltpu.sync_copy(inds_hbm, inds_v)

        def body(in_v, out_v):
            cols = [inds_v[pl.ds(g * _LANES, _LANES)] for g in range(n_groups)]

            @pl.loop(0, _CH)
            def _(r):
                row = jnp.full((_LANES,), r, jnp.int32)
                for g in range(n_groups):
                    vals = plsc.load_gather(in_v, [row, cols[g]])
                    out_v[r, pl.ds(g * _LANES, _LANES)] = vals

        pltpu.emit_pipeline(
            body,
            grid=((n_rows - _TC_ROWS) // _CH,),
            in_specs=[pl.BlockSpec((_CH, n_cols), lambda i: (i + blk0, 0))],
            out_specs=[pl.BlockSpec((_CH, k), lambda i: (i + blk0, 0))],
            core_axis_name=("c", "s"),
            dimension_semantics=(pltpu.PARALLEL,),
        )(x_hbm, o_hbm)

    return sc_gather(x, inds)


def kernel(x, inds):
    sc_out = _sc_part(x, inds)
    tc_out = _tc_part(x, inds)
    return lax.dynamic_update_slice(sc_out, tc_out, (0, 0))

# --- scband reference (transcript-rebuilt; emitter-appended) ---
"""Pipeline reference for scband-static-mask-layer1d-21440476742460 (READ-ONLY COPY).

The authoritative reference and input builder live on the scoring server;
editing this copy changes nothing except your own understanding.
"""

import jax, jax.numpy as jnp
import numpy as np


def setup_inputs(seed: int = 0) -> dict:
    key = jax.random.key(seed)
    x = jax.random.normal(key, (16384, 1024), dtype=jnp.float32)
    inds = jnp.arange(0, 1024, 8, dtype=jnp.int32)  # 128 selected columns, matches init_kwargs
    return {"x": x, "inds": inds}


def reference(x, inds):
    # StaticMaskLayer1d.forward: x[:, self.inds] -> column gather
    return jnp.take(x, inds, axis=1)

if __name__ == "__main__":
    import jax
    _d = setup_inputs()
    print(jax.jit(kernel)(*tuple(_d.values())))

</pallas_src>

<mosaic_0001>
#map = affine_map<(d0, d1) -> (0, 0)>
#map1 = affine_map<(d0, d1) -> (0)>
module attributes {stable_mosaic.version = 14 : i64} {
  func.func @sc_gather(%arg0: i32, %arg1: i32, %arg2: memref<16384x1024xf32, #tpu.memory_space<hbm>>, %arg3: memref<128xi32, #tpu.memory_space<hbm>>, %arg4: memref<16384x128xf32, #tpu.memory_space<hbm>>, %arg5: memref<128xi32, #tpu.memory_space<vmem>>) attributes {dimension_semantics = [#tpu.dimension_semantics<core_parallel>, #tpu.dimension_semantics<subcore_parallel>], iteration_bounds = array<i64: 2, 16>, scalar_prefetch = 0 : i64, scratch_operands = 1 : i64, tpu.core_type = #tpu.core_type<sc_vector_subcore>, window_params = [{transform_indices = #map}, {transform_indices = #map1}, {transform_indices = #map}]} {
    "tpu.region"() ({
      %run_scoped3A = tpu.sem_alloc : memref<!tpu.dma_semaphore, #tpu.memory_space<semaphore_mem>>
      tpu.enqueue_dma source(%arg3 : memref<128xi32, #tpu.memory_space<hbm>>) target(%arg5 : memref<128xi32, #tpu.memory_space<vmem>>) target_semaphore(%run_scoped3A : memref<!tpu.dma_semaphore, #tpu.memory_space<semaphore_mem>>)
      tpu.wait_dma2 semaphore(%run_scoped3A : memref<!tpu.dma_semaphore, #tpu.memory_space<semaphore_mem>>) src(%arg3 : memref<128xi32, #tpu.memory_space<hbm>>) dst(%arg5 : memref<128xi32, #tpu.memory_space<vmem>>)
      tpu.yield
    }) : () -> ()
    %mul3A = arith.constant 1 : i32
    %mul3A_0 = arith.muli %arg1, %mul3A : i32
    %add3A = arith.constant 0 : i32
    %add3A_1 = arith.addi %add3A, %mul3A_0 : i32
    %mul3A_2 = arith.constant 16 : i32
    %mul3A_3 = arith.muli %arg0, %mul3A_2 : i32
    %add3A_4 = arith.addi %add3A_1, %mul3A_3 : i32
    %mul3A_5 = arith.constant 6 : i32
    %mul3A_6 = arith.muli %add3A_4, %mul3A_5 : i32
    "tpu.region"() ({
      %run_scoped3A = memref.alloca() : memref<2x32x1024xf32, #tpu.memory_space<vmem>>
      %run_scoped3A_7 = tpu.sem_alloc : memref<2x!tpu.dma_semaphore, #tpu.memory_space<semaphore_mem>>
      %run_scoped3A_8 = memref.alloca() : memref<2x32x128xf32, #tpu.memory_space<vmem>>
      %run_scoped3A_9 = tpu.sem_alloc : memref<2x!tpu.dma_semaphore, #tpu.memory_space<semaphore_mem>>
      %add3A_10 = arith.constant 0 : i32
      %add3A_11 = arith.addi %add3A_10, %mul3A_6 : i32
      %select_n3A = arith.constant true
      %select_n3A_12 = arith.constant 0 : i32
      %select_n3A_13 = arith.constant -1 : i32
      %select_n3A_14 = arith.select %select_n3A, %select_n3A_13, %select_n3A_12 : i32
      %eq3A = arith.constant -1 : i32
      %eq3A_15 = arith.cmpi eq, %select_n3A_14, %eq3A : i32
      %select_n3A_16 = arith.constant 5 : i32
      %select_n3A_17 = arith.select %eq3A_15, %select_n3A_16, %select_n3A_14 : i32
      %add3A_18 = arith.addi %select_n3A_17, %mul3A_6 : i32
      %select_n3A_19 = arith.constant true
      %select_n3A_20 = arith.constant 0 : i32
      %select_n3A_21 = arith.constant 1 : i32
      %select_n3A_22 = arith.select %select_n3A_19, %select_n3A_21, %select_n3A_20 : i32
      %eq3A_23 = arith.constant 6 : i32
      %eq3A_24 = arith.cmpi eq, %select_n3A_22, %eq3A_23 : i32
      %select_n3A_25 = arith.constant 0 : i32
      %select_n3A_26 = arith.select %eq3A_24, %select_n3A_25, %select_n3A_22 : i32
      %add3A_27 = arith.addi %select_n3A_26, %mul3A_6 : i32
      %add3A_28 = arith.constant 1 : i32
      %add3A_29 = arith.addi %select_n3A_26, %add3A_28 : i32
      %select_n3A_30 = arith.constant true
      %select_n3A_31 = arith.select %select_n3A_30, %add3A_29, %select_n3A_26 : i32
      %eq3A_32 = arith.constant 6 : i32
      %eq3A_33 = arith.cmpi eq, %select_n3A_31, %eq3A_32 : i32
      %select_n3A_34 = arith.constant 0 : i32
      %select_n3A_35 = arith.select %eq3A_33, %select_n3A_34, %select_n3A_31 : i32
      %add3A_36 = arith.addi %select_n3A_35, %mul3A_6 : i32
      "tpu.trace_start"() <{level = 10 : i32, message = "ep_initialize_0"}> : () -> ()
      %rem3A = arith.constant 0 : i32
      %rem3A_37 = arith.constant 2 : i32
      %rem3A_38 = arith.remui %rem3A, %rem3A_37 : i32
      %add3A_39 = arith.constant 320 : i32
      %add3A_40 = arith.addi %add3A_11, %add3A_39 : i32
      %mul3A_41 = arith.constant 32 : i32
      %mul3A_42 = arith.muli %mul3A_41, %add3A_40 : i32
      %dma_start3A = arith.constant 0 : i32
      %dma_start3A_43 = arith.constant 0 : i32
      %dma_start3A_44 = tpu.memref_slice %run_scoped3A[%rem3A_38, %dma_start3A, %dma_start3A_43] : memref<2x32x1024xf32, #tpu.memory_space<vmem>> -> memref<1x32x1024xf32, #tpu.memory_space<vmem>>
      %dma_start3A_45 = tpu.memref_squeeze %dma_start3A_44 : memref<1x32x1024xf32, #tpu.memory_space<vmem>> -> memref<32x1024xf32, #tpu.memory_space<vmem>>
      %dma_start3A_46 = arith.constant 0 : i32
      %dma_start3A_47 = tpu.memref_slice %arg2[%mul3A_42, %dma_start3A_46] : memref<16384x1024xf32, #tpu.memory_space<hbm>> -> memref<32x1024xf32, #tpu.memory_space<hbm>>
      %dma_start3A_48 = tpu.memref_slice %run_scoped3A_7[%rem3A_38] : memref<2x!tpu.dma_semaphore, #tpu.memory_space<semaphore_mem>> -> memref<1x!tpu.dma_semaphore, #tpu.memory_space<semaphore_mem>>
      %dma_start3A_49 = tpu.memref_squeeze %dma_start3A_48 : memref<1x!tpu.dma_semaphore, #tpu.memory_space<semaphore_mem>> -> memref<!tpu.dma_semaphore, #tpu.memory_space<semaphore_mem>>
      %dma_start3A_50 = arith.constant 0 : i32
      %dma_start3A_51 = arith.constant 0 : i32
      %dma_start3A_52 = tpu.memref_slice %run_scoped3A[%rem3A_38, %dma_start3A_50, %dma_start3A_51] : memref<2x32x1024xf32, #tpu.memory_space<vmem>> -> memref<1x32x1024xf32, #tpu.memory_space<vmem>>
      %dma_start3A_53 = tpu.memref_squeeze %dma_start3A_52 : memref<1x32x1024xf32, #tpu.memory_space<vmem>> -> memref<32x1024xf32, #tpu.memory_space<vmem>>
      %dma_start3A_54 = arith.constant 0 : i32
      %dma_start3A_55 = tpu.memref_slice %arg2[%mul3A_42, %dma_start3A_54] : memref<16384x1024xf32, #tpu.memory_space<hbm>> -> memref<32x1024xf32, #tpu.memory_space<hbm>>
      tpu.enqueue_dma source(%dma_start3A_55 : memref<32x1024xf32, #tpu.memory_space<hbm>>) target(%dma_start3A_53 : memref<32x1024xf32, #tpu.memory_space<vmem>>) target_semaphore(%dma_start3A_49 : memref<!tpu.dma_semaphore, #tpu.memory_space<semaphore_mem>>)
      %add3A_56 = arith.constant 0 : i32
      %add3A_57 = arith.constant 1 : i32
      %add3A_58 = arith.addi %add3A_56, %add3A_57 : i32
      %select_n3A_59 = arith.constant true
      %select_n3A_60 = arith.constant 0 : i32
      %select_n3A_61 = arith.select %select_n3A_59, %add3A_58, %select_n3A_60 : i32
      "tpu.trace_stop"() : () -> ()
      %scan3A = arith.constant 0 : i32
      %scan3A_62 = arith.constant 0 : i32
      %scan3A_63 = arith.constant 0 : i32
      %scan3A_64 = arith.constant 0 : i32
      %scan3A_65 = arith.constant 0 : i32
      %scan3A_66 = arith.constant 6 : i32
      %scan3A_67 = arith.addi %scan3A_65, %scan3A_66 : i32
      %scan3A_68 = arith.constant 1 : i32
      %scan3A_69:5 = scf.for %scan3A_125 = %scan3A_65 to %scan3A_67 step %scan3A_68 iter_args(%scan3A_126 = %select_n3A_61, %scan3A_127 = %scan3A, %scan3A_128 = %scan3A_62, %scan3A_129 = %scan3A_63, %scan3A_130 = %scan3A_64) -> (i32, i32, i32, i32, i32)  : i32 {
        %eq3A_131 = arith.constant 0 : i32
        %eq3A_132 = arith.cmpi eq, %scan3A_125, %eq3A_131 : i32
        %eq3A_133 = arith.constant 5 : i32
        %eq3A_134 = arith.cmpi eq, %scan3A_125, %eq3A_133 : i32
        %add3A_135 = arith.addi %scan3A_130, %mul3A_6 : i32
        %sub3A_136 = arith.constant 1 : i32
        %sub3A_137 = arith.subi %scan3A_130, %sub3A_136 : i32
        %select_n3A_138 = arith.constant true
        %select_n3A_139 = arith.select %select_n3A_138, %sub3A_137, %scan3A_130 : i32
        %eq3A_140 = arith.constant -1 : i32
        %eq3A_141 = arith.cmpi eq, %select_n3A_139, %eq3A_140 : i32
        %select_n3A_142 = arith.constant 5 : i32
        %select_n3A_143 = arith.select %eq3A_141, %select_n3A_142, %select_n3A_139 : i32
        %add3A_144 = arith.addi %select_n3A_143, %mul3A_6 : i32
        %add3A_145 = arith.constant 1 : i32
        %add3A_146 = arith.addi %scan3A_130, %add3A_145 : i32
        %select_n3A_147 = arith.constant true
        %select_n3A_148 = arith.select %select_n3A_147, %add3A_146, %scan3A_130 : i32
        %eq3A_149 = arith.constant 6 : i32
        %eq3A_150 = arith.cmpi eq, %select_n3A_148, %eq3A_149 : i32
        %select_n3A_151 = arith.constant 0 : i32
        %select_n3A_152 = arith.select %eq3A_150, %select_n3A_151, %select_n3A_148 : i32
        %add3A_153 = arith.addi %select_n3A_152, %mul3A_6 : i32
        %add3A_154 = arith.constant 1 : i32
        %add3A_155 = arith.addi %select_n3A_152, %add3A_154 : i32
        %select_n3A_156 = arith.constant true
        %select_n3A_157 = arith.select %select_n3A_156, %add3A_155, %select_n3A_152 : i32
        %eq3A_158 = arith.constant 6 : i32
        %eq3A_159 = arith.cmpi eq, %select_n3A_157, %eq3A_158 : i32
        %select_n3A_160 = arith.constant 0 : i32
        %select_n3A_161 = arith.select %eq3A_159, %select_n3A_160, %select_n3A_157 : i32
        %add3A_162 = arith.addi %select_n3A_161, %mul3A_6 : i32
        %add3A_163 = arith.constant 320 : i32
        %add3A_164 = arith.addi %add3A_135, %add3A_163 : i32
        %add3A_165 = arith.constant 320 : i32
        %add3A_166 = arith.addi %add3A_153, %add3A_165 : i32
        %ne3A = arith.cmpi ne, %add3A_164, %add3A_166 : i32
        %or3A = arith.constant false
        %or3A_167 = arith.ori %or3A, %ne3A : i1
        %or3A_168 = arith.constant false
        %or3A_169 = arith.ori %or3A_167, %or3A_168 : i1
        %ge3A = arith.constant 5 : i32
        %ge3A_170 = arith.cmpi sge, %scan3A_125, %ge3A : i32
        %not3A = arith.constant true
        %not3A_171 = arith.xori %ge3A_170, %not3A : i1
        %and3A = arith.andi %or3A_169, %not3A_171 : i1
        %convert_element_type3A = arith.extui %and3A : i1 to i32
        %cond3A = arith.constant 0 : i32
        %cond3A_172 = arith.cmpi ne, %convert_element_type3A, %cond3A : i32
        scf.if %cond3A_172 {
          "tpu.trace_start"() <{level = 10 : i32, message = "ep_copy_in"}> : () -> ()
          %rem3A_333 = arith.constant 2 : i32
          %rem3A_334 = arith.remui %scan3A_126, %rem3A_333 : i32
          %add3A_335 = arith.constant 320 : i32
          %add3A_336 = arith.addi %add3A_153, %add3A_335 : i32
          %mul3A_337 = arith.constant 32 : i32
          %mul3A_338 = arith.muli %mul3A_337, %add3A_336 : i32
          %dma_start3A_339 = arith.constant 0 : i32
          %dma_start3A_340 = arith.constant 0 : i32
          %dma_start3A_341 = tpu.memref_slice %run_scoped3A[%rem3A_334, %dma_start3A_339, %dma_start3A_340] : memref<2x32x1024xf32, #tpu.memory_space<vmem>> -> memref<1x32x1024xf32, #tpu.memory_space<vmem>>
          %dma_start3A_342 = tpu.memref_squeeze %dma_start3A_341 : memref<1x32x1024xf32, #tpu.memory_space<vmem>> -> memref<32x1024xf32, #tpu.memory_space<vmem>>
          %dma_start3A_343 = arith.constant 0 : i32
          %dma_start3A_344 = tpu.memref_slice %arg2[%mul3A_338, %dma_start3A_343] : memref<16384x1024xf32, #tpu.memory_space<hbm>> -> memref<32x1024xf32, #tpu.memory_space<hbm>>
          %dma_start3A_345 = tpu.memref_slice %run_scoped3A_7[%rem3A_334] : memref<2x!tpu.dma_semaphore, #tpu.memory_space<semaphore_mem>> -> memref<1x!tpu.dma_semaphore, #tpu.memory_space<semaphore_mem>>
          %dma_start3A_346 = tpu.memref_squeeze %dma_start3A_345 : memref<1x!tpu.dma_semaphore, #tpu.memory_space<semaphore_mem>> -> memref<!tpu.dma_semaphore, #tpu.memory_space<semaphore_mem>>
          %dma_start3A_347 = arith.constant 0 : i32
          %dma_start3A_348 = arith.constant 0 : i32
          %dma_start3A_349 = tpu.memref_slice %run_scoped3A[%rem3A_334, %dma_start3A_347, %dma_start3A_348] : memref<2x32x1024xf32, #tpu.memory_space<vmem>> -> memref<1x32x1024xf32, #tpu.memory_space<vmem>>
          %dma_start3A_350 = tpu.memref_squeeze %dma_start3A_349 : memref<1x32x1024xf32, #tpu.memory_space<vmem>> -> memref<32x1024xf32, #tpu.memory_space<vmem>>
          %dma_start3A_351 = arith.constant 0 : i32
          %dma_start3A_352 = tpu.memref_slice %arg2[%mul3A_338, %dma_start3A_351] : memref<16384x1024xf32, #tpu.memory_space<hbm>> -> memref<32x1024xf32, #tpu.memory_space<hbm>>
          tpu.enqueue_dma source(%dma_start3A_352 : memref<32x1024xf32, #tpu.memory_space<hbm>>) target(%dma_start3A_350 : memref<32x1024xf32, #tpu.memory_space<vmem>>) target_semaphore(%dma_start3A_346 : memref<!tpu.dma_semaphore, #tpu.memory_space<semaphore_mem>>)
          "tpu.trace_stop"() : () -> ()
        } else {
        }
        %and3A_173 = arith.constant true
        %and3A_174 = arith.andi %and3A, %and3A_173 : i1
        %add3A_175 = arith.constant 1 : i32
        %add3A_176 = arith.addi %scan3A_126, %add3A_175 : i32
        %select_n3A_177 = arith.select %and3A_174, %add3A_176, %scan3A_126 : i32
        %add3A_178 = arith.constant 320 : i32
        %add3A_179 = arith.addi %add3A_135, %add3A_178 : i32
        %add3A_180 = arith.constant 320 : i32
        %add3A_181 = arith.addi %add3A_153, %add3A_180 : i32
        %ne3A_182 = arith.cmpi ne, %add3A_179, %add3A_181 : i32
        %or3A_183 = arith.constant false
        %or3A_184 = arith.ori %or3A_183, %ne3A_182 : i1
        %or3A_185 = arith.constant false
        %or3A_186 = arith.ori %or3A_184, %or3A_185 : i1
        %ge3A_187 = arith.constant 5 : i32
        %ge3A_188 = arith.cmpi sge, %scan3A_125, %ge3A_187 : i32
        %not3A_189 = arith.constant true
        %not3A_190 = arith.xori %ge3A_188, %not3A_189 : i1
        %and3A_191 = arith.andi %or3A_186, %not3A_190 : i1
        %add3A_192 = arith.constant 320 : i32
        %add3A_193 = arith.addi %add3A_135, %add3A_192 : i32
        %add3A_194 = arith.constant 320 : i32
        %add3A_195 = arith.addi %add3A_144, %add3A_194 : i32
        %ne3A_196 = arith.cmpi ne, %add3A_193, %add3A_195 : i32
        %or3A_197 = arith.constant false
        %or3A_198 = arith.ori %or3A_197, %ne3A_196 : i1
        %or3A_199 = arith.constant false
        %or3A_200 = arith.ori %or3A_198, %or3A_199 : i1
        %or3A_201 = arith.ori %or3A_200, %eq3A_132 : i1
        %convert_element_type3A_202 = arith.extui %or3A_201 : i1 to i32
        %cond3A_203 = arith.constant 0 : i32
        %cond3A_204 = arith.cmpi ne, %convert_element_type3A_202, %cond3A_203 : i32
        scf.if %cond3A_204 {
          "tpu.trace_start"() <{level = 10 : i32, message = "ep_wait_in"}> : () -> ()
          %add3A_333 = arith.constant 320 : i32
          %add3A_334 = arith.addi %add3A_135, %add3A_333 : i32
          %mul3A_335 = arith.constant 32 : i32
          %mul3A_336 = arith.muli %mul3A_335, %add3A_334 : i32
          %rem3A_337 = arith.constant 2 : i32
          %rem3A_338 = arith.remui %scan3A_127, %rem3A_337 : i32
          %dma_wait3A_339 = arith.constant 0 : i32
          %dma_wait3A_340 = arith.constant 0 : i32
          %dma_wait3A_341 = tpu.memref_slice %run_scoped3A[%rem3A_338, %dma_wait3A_339, %dma_wait3A_340] : memref<2x32x1024xf32, #tpu.memory_space<vmem>> -> memref<1x32x1024xf32, #tpu.memory_space<vmem>>
          %dma_wait3A_342 = tpu.memref_squeeze %dma_wait3A_341 : memref<1x32x1024xf32, #tpu.memory_space<vmem>> -> memref<32x1024xf32, #tpu.memory_space<vmem>>
          %dma_wait3A_343 = arith.constant 0 : i32
          %dma_wait3A_344 = tpu.memref_slice %arg2[%mul3A_336, %dma_wait3A_343] : memref<16384x1024xf32, #tpu.memory_space<hbm>> -> memref<32x1024xf32, #tpu.memory_space<hbm>>
          %dma_wait3A_345 = tpu.memref_slice %run_scoped3A_7[%rem3A_338] : memref<2x!tpu.dma_semaphore, #tpu.memory_space<semaphore_mem>> -> memref<1x!tpu.dma_semaphore, #tpu.memory_space<semaphore_mem>>
          %dma_wait3A_346 = tpu.memref_squeeze %dma_wait3A_345 : memref<1x!tpu.dma_semaphore, #tpu.memory_space<semaphore_mem>> -> memref<!tpu.dma_semaphore, #tpu.memory_space<semaphore_mem>>
          %dma_wait3A_347 = arith.constant 0 : i32
          %dma_wait3A_348 = arith.constant 0 : i32
          %dma_wait3A_349 = tpu.memref_slice %run_scoped3A[%rem3A_338, %dma_wait3A_347, %dma_wait3A_348] : memref<2x32x1024xf32, #tpu.memory_space<vmem>> -> memref<1x32x1024xf32, #tpu.memory_space<vmem>>
          %dma_wait3A_350 = tpu.memref_squeeze %dma_wait3A_349 : memref<1x32x1024xf32, #tpu.memory_space<vmem>> -> memref<32x1024xf32, #tpu.memory_space<vmem>>
          %dma_wait3A_351 = arith.constant 0 : i32
          %dma_wait3A_352 = tpu.memref_slice %arg2[%mul3A_336, %dma_wait3A_351] : memref<16384x1024xf32, #tpu.memory_space<hbm>> -> memref<32x1024xf32, #tpu.memory_space<hbm>>
          tpu.wait_dma2 semaphore(%dma_wait3A_346 : memref<!tpu.dma_semaphore, #tpu.memory_space<semaphore_mem>>) src(%dma_wait3A_352 : memref<32x1024xf32, #tpu.memory_space<hbm>>) dst(%dma_wait3A_350 : memref<32x1024xf32, #tpu.memory_space<vmem>>)
          "tpu.trace_stop"() : () -> ()
        } else {
        }
        %add3A_205 = arith.constant 320 : i32
        %add3A_206 = arith.addi %add3A_135, %add3A_205 : i32
        %add3A_207 = arith.constant 320 : i32
        %add3A_208 = arith.addi %add3A_144, %add3A_207 : i32
        %ne3A_209 = arith.cmpi ne, %add3A_206, %add3A_208 : i32
        %or3A_210 = arith.constant false
        %or3A_211 = arith.ori %or3A_210, %ne3A_209 : i1
        %or3A_212 = arith.constant false
        %or3A_213 = arith.ori %or3A_211, %or3A_212 : i1
        %or3A_214 = arith.ori %or3A_213, %eq3A_132 : i1
        %convert_element_type3A_215 = arith.extui %or3A_214 : i1 to i32
        %cond3A_216 = arith.constant 0 : i32
        %cond3A_217 = arith.cmpi ne, %convert_element_type3A_215, %cond3A_216 : i32
        scf.if %cond3A_217 {
        } else {
        }
        %rem3A_218 = arith.constant 2 : i32
        %rem3A_219 = arith.remui %scan3A_127, %rem3A_218 : i32
        %rem3A_220 = arith.constant 2 : i32
        %rem3A_221 = arith.remui %scan3A_128, %rem3A_220 : i32
        "tpu.trace_start"() <{level = 10 : i32, message = "ep_run_kernel"}> : () -> ()
        %get3A = arith.constant 0 : index
        %get3A_222 = tpu.vector_load %arg5[%get3A] {strides = array<i32>} : memref<128xi32, #tpu.memory_space<vmem>>, vector<16xi32>,
        %get3A_223 = arith.constant 16 : index
        %get3A_224 = tpu.vector_load %arg5[%get3A_223] {strides = array<i32>} : memref<128xi32, #tpu.memory_space<vmem>>, vector<16xi32>,
        %get3A_225 = arith.constant 32 : index
        %get3A_226 = tpu.vector_load %arg5[%get3A_225] {strides = array<i32>} : memref<128xi32, #tpu.memory_space<vmem>>, vector<16xi32>,
        %get3A_227 = arith.constant 48 : index
        %get3A_228 = tpu.vector_load %arg5[%get3A_227] {strides = array<i32>} : memref<128xi32, #tpu.memory_space<vmem>>, vector<16xi32>,
        %get3A_229 = arith.constant 64 : index
        %get3A_230 = tpu.vector_load %arg5[%get3A_229] {strides = array<i32>} : memref<128xi32, #tpu.memory_space<vmem>>, vector<16xi32>,
        %get3A_231 = arith.constant 80 : index
        %get3A_232 = tpu.vector_load %arg5[%get3A_231] {strides = array<i32>} : memref<128xi32, #tpu.memory_space<vmem>>, vector<16xi32>,
        %get3A_233 = arith.constant 96 : index
        %get3A_234 = tpu.vector_load %arg5[%get3A_233] {strides = array<i32>} : memref<128xi32, #tpu.memory_space<vmem>>, vector<16xi32>,
        %get3A_235 = arith.constant 112 : index
        %get3A_236 = tpu.vector_load %arg5[%get3A_235] {strides = array<i32>} : memref<128xi32, #tpu.memory_space<vmem>>, vector<16xi32>,
        %scan3A_237 = arith.constant 0 : i32
        %scan3A_238 = arith.constant 32 : i32
        %scan3A_239 = arith.addi %scan3A_237, %scan3A_238 : i32
        %scan3A_240 = arith.constant 1 : i32
        scf.for %scan3A_333 = %scan3A_237 to %scan3A_239 step %scan3A_240  : i32 {
          %mul3A_334 = arith.constant 1 : i32
          %mul3A_335 = arith.muli %scan3A_333, %mul3A_334 : i32
          %add3A_336 = arith.constant 0 : i32
          %add3A_337 = arith.addi %add3A_336, %mul3A_335 : i32
          %broadcast_in_dim3A = vector.broadcast %add3A_337 : i32 to vector<16xi32>
          %gather3A = arith.constant 0 : i32
          %gather3A_338 = arith.constant 0 : i32
          %gather3A_339 = tpu.memref_slice %run_scoped3A[%rem3A_219, %gather3A, %gather3A_338] : memref<2x32x1024xf32, #tpu.memory_space<vmem>> -> memref<1x32x1024xf32, #tpu.memory_space<vmem>>
          %gather3A_340 = tpu.memref_squeeze %gather3A_339 : memref<1x32x1024xf32, #tpu.memory_space<vmem>> -> memref<32x1024xf32, #tpu.memory_space<vmem>>
          %gather3A_341 = tpu.vector_load_idx %gather3A_340[%broadcast_in_dim3A, %get3A_222] : memref<32x1024xf32, #tpu.memory_space<vmem>>[vector<16xi32>, vector<16xi32>], vector<16xf32>,
          %swap3A = arith.constant 0 : i32
          %swap3A_342 = arith.constant 0 : i32
          %swap3A_343 = tpu.memref_slice %run_scoped3A_8[%rem3A_221, %swap3A, %swap3A_342] : memref<2x32x128xf32, #tpu.memory_space<vmem>> -> memref<1x32x128xf32, #tpu.memory_space<vmem>>
          %swap3A_344 = tpu.memref_squeeze %swap3A_343 : memref<1x32x128xf32, #tpu.memory_space<vmem>> -> memref<32x128xf32, #tpu.memory_space<vmem>>
          %swap3A_345 = arith.index_cast %add3A_337 : i32 to index
          %swap3A_346 = arith.constant 0 : index
          %swap3A_347 = tpu.vector_load %swap3A_344[%swap3A_345, %swap3A_346] {strides = array<i32>} : memref<32x128xf32, #tpu.memory_space<vmem>>, vector<16xf32>,
          tpu.vector_store %swap3A_344[%swap3A_345, %swap3A_346], %gather3A_341 {strides = array<i32>} : memref<32x128xf32, #tpu.memory_space<vmem>>, vector<16xf32>,
          %gather3A_348 = arith.constant 0 : i32
          %gather3A_349 = arith.constant 0 : i32
          %gather3A_350 = tpu.memref_slice %run_scoped3A[%rem3A_219, %gather3A_348, %gather3A_349] : memref<2x32x1024xf32, #tpu.memory_space<vmem>> -> memref<1x32x1024xf32, #tpu.memory_space<vmem>>
          %gather3A_351 = tpu.memref_squeeze %gather3A_350 : memref<1x32x1024xf32, #tpu.memory_space<vmem>> -> memref<32x1024xf32, #tpu.memory_space<vmem>>
          %gather3A_352 = tpu.vector_load_idx %gather3A_351[%broadcast_in_dim3A, %get3A_224] : memref<32x1024xf32, #tpu.memory_space<vmem>>[vector<16xi32>, vector<16xi32>], vector<16xf32>,
          %swap3A_353 = arith.constant 0 : i32
          %swap3A_354 = arith.constant 0 : i32
          %swap3A_355 = tpu.memref_slice %run_scoped3A_8[%rem3A_221, %swap3A_353, %swap3A_354] : memref<2x32x128xf32, #tpu.memory_space<vmem>> -> memref<1x32x128xf32, #tpu.memory_space<vmem>>
          %swap3A_356 = tpu.memref_squeeze %swap3A_355 : memref<1x32x128xf32, #tpu.memory_space<vmem>> -> memref<32x128xf32, #tpu.memory_space<vmem>>
          %swap3A_357 = arith.index_cast %add3A_337 : i32 to index
          %swap3A_358 = arith.constant 16 : index
          %swap3A_359 = tpu.vector_load %swap3A_356[%swap3A_357, %swap3A_358] {strides = array<i32>} : memref<32x128xf32, #tpu.memory_space<vmem>>, vector<16xf32>,
          tpu.vector_store %swap3A_356[%swap3A_357, %swap3A_358], %gather3A_352 {strides = array<i32>} : memref<32x128xf32, #tpu.memory_space<vmem>>, vector<16xf32>,
          %gather3A_360 = arith.constant 0 : i32
          %gather3A_361 = arith.constant 0 : i32
          %gather3A_362 = tpu.memref_slice %run_scoped3A[%rem3A_219, %gather3A_360, %gather3A_361] : memref<2x32x1024xf32, #tpu.memory_space<vmem>> -> memref<1x32x1024xf32, #tpu.memory_space<vmem>>
          %gather3A_363 = tpu.memref_squeeze %gather3A_362 : memref<1x32x1024xf32, #tpu.memory_space<vmem>> -> memref<32x1024xf32, #tpu.memory_space<vmem>>
          %gather3A_364 = tpu.vector_load_idx %gather3A_363[%broadcast_in_dim3A, %get3A_226] : memref<32x1024xf32, #tpu.memory_space<vmem>>[vector<16xi32>, vector<16xi32>], vector<16xf32>,
          %swap3A_365 = arith.constant 0 : i32
          %swap3A_366 = arith.constant 0 : i32
          %swap3A_367 = tpu.memref_slice %run_scoped3A_8[%rem3A_221, %swap3A_365, %swap3A_366] : memref<2x32x128xf32, #tpu.memory_space<vmem>> -> memref<1x32x128xf32, #tpu.memory_space<vmem>>
          %swap3A_368 = tpu.memref_squeeze %swap3A_367 : memref<1x32x128xf32, #tpu.memory_space<vmem>> -> memref<32x128xf32, #tpu.memory_space<vmem>>
          %swap3A_369 = arith.index_cast %add3A_337 : i32 to index
          %swap3A_370 = arith.constant 32 : index
          %swap3A_371 = tpu.vector_load %swap3A_368[%swap3A_369, %swap3A_370] {strides = array<i32>} : memref<32x128xf32, #tpu.memory_space<vmem>>, vector<16xf32>,
          tpu.vector_store %swap3A_368[%swap3A_369, %swap3A_370], %gather3A_364 {strides = array<i32>} : memref<32x128xf32, #tpu.memory_space<vmem>>, vector<16xf32>,
          %gather3A_372 = arith.constant 0 : i32
          %gather3A_373 = arith.constant 0 : i32
          %gather3A_374 = tpu.memref_slice %run_scoped3A[%rem3A_219, %gather3A_372, %gather3A_373] : memref<2x32x1024xf32, #tpu.memory_space<vmem>> -> memref<1x32x1024xf32, #tpu.memory_space<vmem>>
          %gather3A_375 = tpu.memref_squeeze %gather3A_374 : memref<1x32x1024xf32, #tpu.memory_space<vmem>> -> memref<32x1024xf32, #tpu.memory_space<vmem>>
          %gather3A_376 = tpu.vector_load_idx %gather3A_375[%broadcast_in_dim3A, %get3A_228] : memref<32x1024xf32, #tpu.memory_space<vmem>>[vector<16xi32>, vector<16xi32>], vector<16xf32>,
          %swap3A_377 = arith.constant 0 : i32
          %swap3A_378 = arith.constant 0 : i32
          %swap3A_379 = tpu.memref_slice %run_scoped3A_8[%rem3A_221, %swap3A_377, %swap3A_378] : memref<2x32x128xf32, #tpu.memory_space<vmem>> -> memref<1x32x128xf32, #tpu.memory_space<vmem>>
          %swap3A_380 = tpu.memref_squeeze %swap3A_379 : memref<1x32x128xf32, #tpu.memory_space<vmem>> -> memref<32x128xf32, #tpu.memory_space<vmem>>
          %swap3A_381 = arith.index_cast %add3A_337 : i32 to index
          %swap3A_382 = arith.constant 48 : index
          %swap3A_383 = tpu.vector_load %swap3A_380[%swap3A_381, %swap3A_382] {strides = array<i32>} : memref<32x128xf32, #tpu.memory_space<vmem>>, vector<16xf32>,
          tpu.vector_store %swap3A_380[%swap3A_381, %swap3A_382], %gather3A_376 {strides = array<i32>} : memref<32x128xf32, #tpu.memory_space<vmem>>, vector<16xf32>,
          %gather3A_384 = arith.constant 0 : i32
          %gather3A_385 = arith.constant 0 : i32
          %gather3A_386 = tpu.memref_slice %run_scoped3A[%rem3A_219, %gather3A_384, %gather3A_385] : memref<2x32x1024xf32, #tpu.memory_space<vmem>> -> memref<1x32x1024xf32, #tpu.memory_space<vmem>>
          %gather3A_387 = tpu.memref_squeeze %gather3A_386 : memref<1x32x1024xf32, #tpu.memory_space<vmem>> -> memref<32x1024xf32, #tpu.memory_space<vmem>>
          %gather3A_388 = tpu.vector_load_idx %gather3A_387[%broadcast_in_dim3A, %get3A_230] : memref<32x1024xf32, #tpu.memory_space<vmem>>[vector<16xi32>, vector<16xi32>], vector<16xf32>,
          %swap3A_389 = arith.constant 0 : i32
          %swap3A_390 = arith.constant 0 : i32
          %swap3A_391 = tpu.memref_slice %run_scoped3A_8[%rem3A_221, %swap3A_389, %swap3A_390] : memref<2x32x128xf32, #tpu.memory_space<vmem>> -> memref<1x32x128xf32, #tpu.memory_space<vmem>>
          %swap3A_392 = tpu.memref_squeeze %swap3A_391 : memref<1x32x128xf32, #tpu.memory_space<vmem>> -> memref<32x128xf32, #tpu.memory_space<vmem>>
          %swap3A_393 = arith.index_cast %add3A_337 : i32 to index
          %swap3A_394 = arith.constant 64 : index
          %swap3A_395 = tpu.vector_load %swap3A_392[%swap3A_393, %swap3A_394] {strides = array<i32>} : memref<32x128xf32, #tpu.memory_space<vmem>>, vector<16xf32>,
          tpu.vector_store %swap3A_392[%swap3A_393, %swap3A_394], %gather3A_388 {strides = array<i32>} : memref<32x128xf32, #tpu.memory_space<vmem>>, vector<16xf32>,
          %gather3A_396 = arith.constant 0 : i32
          %gather3A_397 = arith.constant 0 : i32
          %gather3A_398 = tpu.memref_slice %run_scoped3A[%rem3A_219, %gather3A_396, %gather3A_397] : memref<2x32x1024xf32, #tpu.memory_space<vmem>> -> memref<1x32x1024xf32, #tpu.memory_space<vmem>>
          %gather3A_399 = tpu.memref_squeeze %gather3A_398 : memref<1x32x1024xf32, #tpu.memory_space<vmem>> -> memref<32x1024xf32, #tpu.memory_space<vmem>>
          %gather3A_400 = tpu.vector_load_idx %gather3A_399[%broadcast_in_dim3A, %get3A_232] : memref<32x1024xf32, #tpu.memory_space<vmem>>[vector<16xi32>, vector<16xi32>], vector<16xf32>,
          %swap3A_401 = arith.constant 0 : i32
          %swap3A_402 = arith.constant 0 : i32
          %swap3A_403 = tpu.memref_slice %run_scoped3A_8[%rem3A_221, %swap3A_401, %swap3A_402] : memref<2x32x128xf32, #tpu.memory_space<vmem>> -> memref<1x32x128xf32, #tpu.memory_space<vmem>>
          %swap3A_404 = tpu.memref_squeeze %swap3A_403 : memref<1x32x128xf32, #tpu.memory_space<vmem>> -> memref<32x128xf32, #tpu.memory_space<vmem>>
          %swap3A_405 = arith.index_cast %add3A_337 : i32 to index
          %swap3A_406 = arith.constant 80 : index
          %swap3A_407 = tpu.vector_load %swap3A_404[%swap3A_405, %swap3A_406] {strides = array<i32>} : memref<32x128xf32, #tpu.memory_space<vmem>>, vector<16xf32>,
          tpu.vector_store %swap3A_404[%swap3A_405, %swap3A_406], %gather3A_400 {strides = array<i32>} : memref<32x128xf32, #tpu.memory_space<vmem>>, vector<16xf32>,
          %gather3A_408 = arith.constant 0 : i32
          %gather3A_409 = arith.constant 0 : i32
          %gather3A_410 = tpu.memref_slice %run_scoped3A[%rem3A_219, %gather3A_408, %gather3A_409] : memref<2x32x1024xf32, #tpu.memory_space<vmem>> -> memref<1x32x1024xf32, #tpu.memory_space<vmem>>
          %gather3A_411 = tpu.memref_squeeze %gather3A_410 : memref<1x32x1024xf32, #tpu.memory_space<vmem>> -> memref<32x1024xf32, #tpu.memory_space<vmem>>
          %gather3A_412 = tpu.vector_load_idx %gather3A_411[%broadcast_in_dim3A, %get3A_234] : memref<32x1024xf32, #tpu.memory_space<vmem>>[vector<16xi32>, vector<16xi32>], vector<16xf32>,
          %swap3A_413 = arith.constant 0 : i32
          %swap3A_414 = arith.constant 0 : i32
          %swap3A_415 = tpu.memref_slice %run_scoped3A_8[%rem3A_221, %swap3A_413, %swap3A_414] : memref<2x32x128xf32, #tpu.memory_space<vmem>> -> memref<1x32x128xf32, #tpu.memory_space<vmem>>
          %swap3A_416 = tpu.memref_squeeze %swap3A_415 : memref<1x32x128xf32, #tpu.memory_space<vmem>> -> memref<32x128xf32, #tpu.memory_space<vmem>>
          %swap3A_417 = arith.index_cast %add3A_337 : i32 to index
          %swap3A_418 = arith.constant 96 : index
          %swap3A_419 = tpu.vector_load %swap3A_416[%swap3A_417, %swap3A_418] {strides = array<i32>} : memref<32x128xf32, #tpu.memory_space<vmem>>, vector<16xf32>,
          tpu.vector_store %swap3A_416[%swap3A_417, %swap3A_418], %gather3A_412 {strides = array<i32>} : memref<32x128xf32, #tpu.memory_space<vmem>>, vector<16xf32>,
          %gather3A_420 = arith.constant 0 : i32
          %gather3A_421 = arith.constant 0 : i32
          %gather3A_422 = tpu.memref_slice %run_scoped3A[%rem3A_219, %gather3A_420, %gather3A_421] : memref<2x32x1024xf32, #tpu.memory_space<vmem>> -> memref<1x32x1024xf32, #tpu.memory_space<vmem>>
          %gather3A_423 = tpu.memref_squeeze %gather3A_422 : memref<1x32x1024xf32, #tpu.memory_space<vmem>> -> memref<32x1024xf32, #tpu.memory_space<vmem>>
          %gather3A_424 = tpu.vector_load_idx %gather3A_423[%broadcast_in_dim3A, %get3A_236] : memref<32x1024xf32, #tpu.memory_space<vmem>>[vector<16xi32>, vector<16xi32>], vector<16xf32>,
          %swap3A_425 = arith.constant 0 : i32
          %swap3A_426 = arith.constant 0 : i32
          %swap3A_427 = tpu.memref_slice %run_scoped3A_8[%rem3A_221, %swap3A_425, %swap3A_426] : memref<2x32x128xf32, #tpu.memory_space<vmem>> -> memref<1x32x128xf32, #tpu.memory_space<vmem>>
          %swap3A_428 = tpu.memref_squeeze %swap3A_427 : memref<1x32x128xf32, #tpu.memory_space<vmem>> -> memref<32x128xf32, #tpu.memory_space<vmem>>
          %swap3A_429 = arith.index_cast %add3A_337 : i32 to index
          %swap3A_430 = arith.constant 112 : index
          %swap3A_431 = tpu.vector_load %swap3A_428[%swap3A_429, %swap3A_430] {strides = array<i32>} : memref<32x128xf32, #tpu.memory_space<vmem>>, vector<16xf32>,
          tpu.vector_store %swap3A_428[%swap3A_429, %swap3A_430], %gather3A_424 {strides = array<i32>} : memref<32x128xf32, #tpu.memory_space<vmem>>, vector<16xf32>,
        }
        %scan3A_241 = arith.constant 32 : i32
        "tpu.trace_stop"() : () -> ()
        %add3A_242 = arith.constant 320 : i32
        %add3A_243 = arith.addi %add3A_135, %add3A_242 : i32
        %add3A_244 = arith.constant 320 : i32
        %add3A_245 = arith.addi %add3A_153, %add3A_244 : i32
        %ne3A_246 = arith.cmpi ne, %add3A_243, %add3A_245 : i32
        %or3A_247 = arith.constant false
        %or3A_248 = arith.ori %or3A_247, %ne3A_246 : i1
        %or3A_249 = arith.constant false
        %or3A_250 = arith.ori %or3A_248, %or3A_249 : i1
        %or3A_251 = arith.ori %or3A_250, %eq3A_134 : i1
        %convert_element_type3A_252 = arith.extui %or3A_251 : i1 to i32
        %cond3A_253 = arith.constant 0 : i32
        %cond3A_254 = arith.cmpi ne, %convert_element_type3A_252, %cond3A_253 : i32
        scf.if %cond3A_254 {
        } else {
        }
        %and3A_255 = arith.constant false
        %and3A_256 = arith.andi %or3A_251, %and3A_255 : i1
        %add3A_257 = arith.constant 320 : i32
        %add3A_258 = arith.addi %add3A_135, %add3A_257 : i32
        %add3A_259 = arith.constant 320 : i32
        %add3A_260 = arith.addi %add3A_153, %add3A_259 : i32
        %ne3A_261 = arith.cmpi ne, %add3A_258, %add3A_260 : i32
        %or3A_262 = arith.constant false
        %or3A_263 = arith.ori %or3A_262, %ne3A_261 : i1
        %or3A_264 = arith.constant false
        %or3A_265 = arith.ori %or3A_263, %or3A_264 : i1
        %or3A_266 = arith.ori %or3A_265, %eq3A_134 : i1
        %convert_element_type3A_267 = arith.extui %or3A_266 : i1 to i32
        %cond3A_268 = arith.constant 0 : i32
        %cond3A_269 = arith.cmpi ne, %convert_element_type3A_267, %cond3A_268 : i32
        scf.if %cond3A_269 {
          "tpu.trace_start"() <{level = 10 : i32, message = "ep_copy_out"}> : () -> ()
          %rem3A_333 = arith.constant 2 : i32
          %rem3A_334 = arith.remui %scan3A_128, %rem3A_333 : i32
          %add3A_335 = arith.constant 320 : i32
          %add3A_336 = arith.addi %add3A_135, %add3A_335 : i32
          %mul3A_337 = arith.constant 32 : i32
          %mul3A_338 = arith.muli %mul3A_337, %add3A_336 : i32
          %dma_start3A_339 = arith.constant 0 : i32
          %dma_start3A_340 = arith.constant 0 : i32
          %dma_start3A_341 = tpu.memref_slice %run_scoped3A_8[%rem3A_334, %dma_start3A_339, %dma_start3A_340] : memref<2x32x128xf32, #tpu.memory_space<vmem>> -> memref<1x32x128xf32, #tpu.memory_space<vmem>>
          %dma_start3A_342 = tpu.memref_squeeze %dma_start3A_341 : memref<1x32x128xf32, #tpu.memory_space<vmem>> -> memref<32x128xf32, #tpu.memory_space<vmem>>
          %dma_start3A_343 = arith.constant 0 : i32
          %dma_start3A_344 = tpu.memref_slice %arg4[%mul3A_338, %dma_start3A_343] : memref<16384x128xf32, #tpu.memory_space<hbm>> -> memref<32x128xf32, #tpu.memory_space<hbm>>
          %dma_start3A_345 = tpu.memref_slice %run_scoped3A_9[%rem3A_334] : memref<2x!tpu.dma_semaphore, #tpu.memory_space<semaphore_mem>> -> memref<1x!tpu.dma_semaphore, #tpu.memory_space<semaphore_mem>>
          %dma_start3A_346 = tpu.memref_squeeze %dma_start3A_345 : memref<1x!tpu.dma_semaphore, #tpu.memory_space<semaphore_mem>> -> memref<!tpu.dma_semaphore, #tpu.memory_space<semaphore_mem>>
          %dma_start3A_347 = arith.constant 0 : i32
          %dma_start3A_348 = tpu.memref_slice %arg4[%mul3A_338, %dma_start3A_347] : memref<16384x128xf32, #tpu.memory_space<hbm>> -> memref<32x128xf32, #tpu.memory_space<hbm>>
          %dma_start3A_349 = arith.constant 0 : i32
          %dma_start3A_350 = arith.constant 0 : i32
          %dma_start3A_351 = tpu.memref_slice %run_scoped3A_8[%rem3A_334, %dma_start3A_349, %dma_start3A_350] : memref<2x32x128xf32, #tpu.memory_space<vmem>> -> memref<1x32x128xf32, #tpu.memory_space<vmem>>
          %dma_start3A_352 = tpu.memref_squeeze %dma_start3A_351 : memref<1x32x128xf32, #tpu.memory_space<vmem>> -> memref<32x128xf32, #tpu.memory_space<vmem>>
          tpu.enqueue_dma source(%dma_start3A_352 : memref<32x128xf32, #tpu.memory_space<vmem>>) target(%dma_start3A_348 : memref<32x128xf32, #tpu.memory_space<hbm>>) target_semaphore(%dma_start3A_346 : memref<!tpu.dma_semaphore, #tpu.memory_space<semaphore_mem>>)
          "tpu.trace_stop"() : () -> ()
        } else {
        }
        %and3A_270 = arith.constant true
        %and3A_271 = arith.andi %or3A_266, %and3A_270 : i1
        %add3A_272 = arith.constant 1 : i32
        %add3A_273 = arith.addi %scan3A_128, %add3A_272 : i32
        %select_n3A_274 = arith.select %and3A_271, %add3A_273, %scan3A_128 : i32
        %add3A_275 = arith.constant 320 : i32
        %add3A_276 = arith.addi %add3A_135, %add3A_275 : i32
        %add3A_277 = arith.constant 320 : i32
        %add3A_278 = arith.addi %add3A_144, %add3A_277 : i32
        %ne3A_279 = arith.cmpi ne, %add3A_276, %add3A_278 : i32
        %or3A_280 = arith.constant false
        %or3A_281 = arith.ori %or3A_280, %ne3A_279 : i1
        %or3A_282 = arith.constant false
        %or3A_283 = arith.ori %or3A_281, %or3A_282 : i1
        %not3A_284 = arith.constant true
        %not3A_285 = arith.xori %eq3A_132, %not3A_284 : i1
        %and3A_286 = arith.andi %or3A_283, %not3A_285 : i1
        %convert_element_type3A_287 = arith.extui %and3A_286 : i1 to i32
        %cond3A_288 = arith.constant 0 : i32
        %cond3A_289 = arith.cmpi ne, %convert_element_type3A_287, %cond3A_288 : i32
        scf.if %cond3A_289 {
        } else {
        }
        %and3A_290 = arith.constant false
        %and3A_291 = arith.andi %and3A_286, %and3A_290 : i1
        %add3A_292 = arith.constant 320 : i32
        %add3A_293 = arith.addi %add3A_135, %add3A_292 : i32
        %add3A_294 = arith.constant 320 : i32
        %add3A_295 = arith.addi %add3A_144, %add3A_294 : i32
        %ne3A_296 = arith.cmpi ne, %add3A_293, %add3A_295 : i32
        %or3A_297 = arith.constant false
        %or3A_298 = arith.ori %or3A_297, %ne3A_296 : i1
        %or3A_299 = arith.constant false
        %or3A_300 = arith.ori %or3A_298, %or3A_299 : i1
        %not3A_301 = arith.constant true
        %not3A_302 = arith.xori %eq3A_132, %not3A_301 : i1
        %and3A_303 = arith.andi %or3A_300, %not3A_302 : i1
        %convert_element_type3A_304 = arith.extui %and3A_303 : i1 to i32
        %cond3A_305 = arith.constant 0 : i32
        %cond3A_306 = arith.cmpi ne, %convert_element_type3A_304, %cond3A_305 : i32
        scf.if %cond3A_306 {
          "tpu.trace_start"() <{level = 10 : i32, message = "ep_wait_out"}> : () -> ()
          %rem3A_333 = arith.constant 2 : i32
          %rem3A_334 = arith.remui %scan3A_129, %rem3A_333 : i32
          %add3A_335 = arith.constant 320 : i32
          %add3A_336 = arith.addi %add3A_144, %add3A_335 : i32
          %mul3A_337 = arith.constant 32 : i32
          %mul3A_338 = arith.muli %mul3A_337, %add3A_336 : i32
          %dma_wait3A_339 = arith.constant 0 : i32
          %dma_wait3A_340 = arith.constant 0 : i32
          %dma_wait3A_341 = tpu.memref_slice %run_scoped3A_8[%rem3A_334, %dma_wait3A_339, %dma_wait3A_340] : memref<2x32x128xf32, #tpu.memory_space<vmem>> -> memref<1x32x128xf32, #tpu.memory_space<vmem>>
          %dma_wait3A_342 = tpu.memref_squeeze %dma_wait3A_341 : memref<1x32x128xf32, #tpu.memory_space<vmem>> -> memref<32x128xf32, #tpu.memory_space<vmem>>
          %dma_wait3A_343 = arith.constant 0 : i32
          %dma_wait3A_344 = tpu.memref_slice %arg4[%mul3A_338, %dma_wait3A_343] : memref<16384x128xf32, #tpu.memory_space<hbm>> -> memref<32x128xf32, #tpu.memory_space<hbm>>
          %dma_wait3A_345 = tpu.memref_slice %run_scoped3A_9[%rem3A_334] : memref<2x!tpu.dma_semaphore, #tpu.memory_space<semaphore_mem>> -> memref<1x!tpu.dma_semaphore, #tpu.memory_space<semaphore_mem>>
          %dma_wait3A_346 = tpu.memref_squeeze %dma_wait3A_345 : memref<1x!tpu.dma_semaphore, #tpu.memory_space<semaphore_mem>> -> memref<!tpu.dma_semaphore, #tpu.memory_space<semaphore_mem>>
          %dma_wait3A_347 = arith.constant 0 : i32
          %dma_wait3A_348 = tpu.memref_slice %arg4[%mul3A_338, %dma_wait3A_347] : memref<16384x128xf32, #tpu.memory_space<hbm>> -> memref<32x128xf32, #tpu.memory_space<hbm>>
          %dma_wait3A_349 = arith.constant 0 : i32
          %dma_wait3A_350 = arith.constant 0 : i32
          %dma_wait3A_351 = tpu.memref_slice %run_scoped3A_8[%rem3A_334, %dma_wait3A_349, %dma_wait3A_350] : memref<2x32x128xf32, #tpu.memory_space<vmem>> -> memref<1x32x128xf32, #tpu.memory_space<vmem>>
          %dma_wait3A_352 = tpu.memref_squeeze %dma_wait3A_351 : memref<1x32x128xf32, #tpu.memory_space<vmem>> -> memref<32x128xf32, #tpu.memory_space<vmem>>
          tpu.wait_dma2 semaphore(%dma_wait3A_346 : memref<!tpu.dma_semaphore, #tpu.memory_space<semaphore_mem>>) src(%dma_wait3A_352 : memref<32x128xf32, #tpu.memory_space<vmem>>) dst(%dma_wait3A_348 : memref<32x128xf32, #tpu.memory_space<hbm>>)
          "tpu.trace_stop"() : () -> ()
        } else {
        }
        %and3A_307 = arith.constant true
        %and3A_308 = arith.andi %and3A_303, %and3A_307 : i1
        %add3A_309 = arith.constant 1 : i32
        %add3A_310 = arith.addi %scan3A_129, %add3A_309 : i32
        %select_n3A_311 = arith.select %and3A_308, %add3A_310, %scan3A_129 : i32
        %add3A_312 = arith.constant 320 : i32
        %add3A_313 = arith.addi %add3A_135, %add3A_312 : i32
        %add3A_314 = arith.constant 320 : i32
        %add3A_315 = arith.addi %add3A_153, %add3A_314 : i32
        %ne3A_316 = arith.cmpi ne, %add3A_313, %add3A_315 : i32
        %or3A_317 = arith.constant false
        %or3A_318 = arith.ori %or3A_317, %ne3A_316 : i1
        %or3A_319 = arith.constant false
        %or3A_320 = arith.ori %or3A_318, %or3A_319 : i1
        %or3A_321 = arith.ori %or3A_320, %eq3A_134 : i1
        %add3A_322 = arith.constant 1 : i32
        %add3A_323 = arith.addi %scan3A_127, %add3A_322 : i32
        %select_n3A_324 = arith.select %or3A_321, %add3A_323, %scan3A_127 : i32
        %add3A_325 = arith.constant 1 : i32
        %add3A_326 = arith.addi %scan3A_130, %add3A_325 : i32
        %select_n3A_327 = arith.constant true
        %select_n3A_328 = arith.select %select_n3A_327, %add3A_326, %scan3A_130 : i32
        %eq3A_329 = arith.constant 6 : i32
        %eq3A_330 = arith.cmpi eq, %select_n3A_328, %eq3A_329 : i32
        %select_n3A_331 = arith.constant 0 : i32
        %select_n3A_332 = arith.select %eq3A_330, %select_n3A_331, %select_n3A_328 : i32
        scf.yield %select_n3A_177, %select_n3A_324, %select_n3A_274, %select_n3A_311, %select_n3A_332 : i32, i32, i32, i32, i32
      }
      %scan3A_70 = arith.constant 6 : i32
      %sub3A = arith.constant 1 : i32
      %sub3A_71 = arith.subi %scan3A_69#4, %sub3A : i32
      %select_n3A_72 = arith.constant true
      %select_n3A_73 = arith.select %select_n3A_72, %sub3A_71, %scan3A_69#4 : i32
      %eq3A_74 = arith.constant -1 : i32
      %eq3A_75 = arith.cmpi eq, %select_n3A_73, %eq3A_74 : i32
      %select_n3A_76 = arith.constant 5 : i32
      %select_n3A_77 = arith.select %eq3A_75, %select_n3A_76, %select_n3A_73 : i32
      %add3A_78 = arith.addi %select_n3A_77, %mul3A_6 : i32
      %sub3A_79 = arith.constant 1 : i32
      %sub3A_80 = arith.subi %select_n3A_77, %sub3A_79 : i32
      %select_n3A_81 = arith.constant true
      %select_n3A_82 = arith.select %select_n3A_81, %sub3A_80, %select_n3A_77 : i32
      %eq3A_83 = arith.constant -1 : i32
      %eq3A_84 = arith.cmpi eq, %select_n3A_82, %eq3A_83 : i32
      %select_n3A_85 = arith.constant 5 : i32
      %select_n3A_86 = arith.select %eq3A_84, %select_n3A_85, %select_n3A_82 : i32
      %add3A_87 = arith.addi %select_n3A_86, %mul3A_6 : i32
      %add3A_88 = arith.constant 1 : i32
      %add3A_89 = arith.addi %select_n3A_77, %add3A_88 : i32
      %select_n3A_90 = arith.constant true
      %select_n3A_91 = arith.select %select_n3A_90, %add3A_89, %select_n3A_77 : i32
      %eq3A_92 = arith.constant 6 : i32
      %eq3A_93 = arith.cmpi eq, %select_n3A_91, %eq3A_92 : i32
      %select_n3A_94 = arith.constant 0 : i32
      %select_n3A_95 = arith.select %eq3A_93, %select_n3A_94, %select_n3A_91 : i32
      %add3A_96 = arith.addi %select_n3A_95, %mul3A_6 : i32
      %add3A_97 = arith.constant 1 : i32
      %add3A_98 = arith.addi %select_n3A_95, %add3A_97 : i32
      %select_n3A_99 = arith.constant true
      %select_n3A_100 = arith.select %select_n3A_99, %add3A_98, %select_n3A_95 : i32
      %eq3A_101 = arith.constant 6 : i32
      %eq3A_102 = arith.cmpi eq, %select_n3A_100, %eq3A_101 : i32
      %select_n3A_103 = arith.constant 0 : i32
      %select_n3A_104 = arith.select %eq3A_102, %select_n3A_103, %select_n3A_100 : i32
      %add3A_105 = arith.addi %select_n3A_104, %mul3A_6 : i32
      "tpu.trace_start"() <{level = 10 : i32, message = "ep_finalize"}> : () -> ()
      %rem3A_106 = arith.constant 2 : i32
      %rem3A_107 = arith.remui %scan3A_69#3, %rem3A_106 : i32
      %add3A_108 = arith.constant 320 : i32
      %add3A_109 = arith.addi %add3A_78, %add3A_108 : i32
      %mul3A_110 = arith.constant 32 : i32
      %mul3A_111 = arith.muli %mul3A_110, %add3A_109 : i32
      %dma_wait3A = arith.constant 0 : i32
      %dma_wait3A_112 = arith.constant 0 : i32
      %dma_wait3A_113 = tpu.memref_slice %run_scoped3A_8[%rem3A_107, %dma_wait3A, %dma_wait3A_112] : memref<2x32x128xf32, #tpu.memory_space<vmem>> -> memref<1x32x128xf32, #tpu.memory_space<vmem>>
      %dma_wait3A_114 = tpu.memref_squeeze %dma_wait3A_113 : memref<1x32x128xf32, #tpu.memory_space<vmem>> -> memref<32x128xf32, #tpu.memory_space<vmem>>
      %dma_wait3A_115 = arith.constant 0 : i32
      %dma_wait3A_116 = tpu.memref_slice %arg4[%mul3A_111, %dma_wait3A_115] : memref<16384x128xf32, #tpu.memory_space<hbm>> -> memref<32x128xf32, #tpu.memory_space<hbm>>
      %dma_wait3A_117 = tpu.memref_slice %run_scoped3A_9[%rem3A_107] : memref<2x!tpu.dma_semaphore, #tpu.memory_space<semaphore_mem>> -> memref<1x!tpu.dma_semaphore, #tpu.memory_space<semaphore_mem>>
      %dma_wait3A_118 = tpu.memref_squeeze %dma_wait3A_117 : memref<1x!tpu.dma_semaphore, #tpu.memory_space<semaphore_mem>> -> memref<!tpu.dma_semaphore, #tpu.memory_space<semaphore_mem>>
      %dma_wait3A_119 = arith.constant 0 : i32
      %dma_wait3A_120 = tpu.memref_slice %arg4[%mul3A_111, %dma_wait3A_119] : memref<16384x128xf32, #tpu.memory_space<hbm>> -> memref<32x128xf32, #tpu.memory_space<hbm>>
      %dma_wait3A_121 = arith.constant 0 : i32
      %dma_wait3A_122 = arith.constant 0 : i32
      %dma_wait3A_123 = tpu.memref_slice %run_scoped3A_8[%rem3A_107, %dma_wait3A_121, %dma_wait3A_122] : memref<2x32x128xf32, #tpu.memory_space<vmem>> -> memref<1x32x128xf32, #tpu.memory_space<vmem>>
      %dma_wait3A_124 = tpu.memref_squeeze %dma_wait3A_123 : memref<1x32x128xf32, #tpu.memory_space<vmem>> -> memref<32x128xf32, #tpu.memory_space<vmem>>
      tpu.wait_dma2 semaphore(%dma_wait3A_118 : memref<!tpu.dma_semaphore, #tpu.memory_space<semaphore_mem>>) src(%dma_wait3A_124 : memref<32x128xf32, #tpu.memory_space<vmem>>) dst(%dma_wait3A_120 : memref<32x128xf32, #tpu.memory_space<hbm>>)
      "tpu.trace_stop"() : () -> ()
      tpu.yield
    }) : () -> ()
    return
  }
}

module attributes {stable_mosaic.version = 14 : i64} {
  func.func @_gather_mm(%arg0: i32, %arg1: memref<2048x1024xf32, #tpu.memory_space<vmem>>, %arg2: memref<1024x128xf32, #tpu.memory_space<vmem>>, %arg3: memref<2048x128xf32, #tpu.memory_space<vmem>>) attributes {dimension_semantics = [#tpu.dimension_semantics<arbitrary>], iteration_bounds = array<i64: 5>, scalar_prefetch = 0 : i64, scratch_operands = 0 : i64, tpu.core_type = #tpu.core_type<tc>, window_params = [{transform_indices = @transform_0, window_bounds = array<i64: 2048, 1024>}, {pipeline_mode = #tpu.pipeline_mode<synchronous>, transform_indices = @transform_1, window_bounds = array<i64: 1024, 128>}, {transform_indices = @transform_2, window_bounds = array<i64: 2048, 128>}]} {
    %get3A = arith.constant 0 : index
    %get3A_0 = arith.constant 0 : index
    %get3A_1 = vector.load %arg1[%get3A, %get3A_0] : memref<2048x1024xf32, #tpu.memory_space<vmem>>, vector<2048x1024xf32>
    %get3A_2 = arith.constant 0 : index
    %get3A_3 = arith.constant 0 : index
    %get3A_4 = vector.load %arg2[%get3A_2, %get3A_3] : memref<1024x128xf32, #tpu.memory_space<vmem>>, vector<1024x128xf32>
    %dot_general3A = arith.constant dense<0.000000e+00> : vector<2048x128xf32>
    %dot_general3A_5 = tpu.matmul %get3A_1, %get3A_4, %dot_general3A {dimension_numbers = #tpu.dot_dimension_numbers<[1], [0], [0], [1], [0, 0, 1, 1], [], []>, transpose_lhs_hint = false} : vector<2048x1024xf32>, vector<1024x128xf32>, vector<2048x128xf32> -> vector<2048x128xf32>
    %swap3A = arith.constant 0 : index
    %swap3A_6 = arith.constant 0 : index
    %swap3A_7 = vector.load %arg3[%swap3A, %swap3A_6] : memref<2048x128xf32, #tpu.memory_space<vmem>>, vector<2048x128xf32>
    tpu.vector_store %arg3[%swap3A, %swap3A_6], %dot_general3A_5 {strides = array<i32>} : memref<2048x128xf32, #tpu.memory_space<vmem>>, vector<2048x128xf32>,
    return
  }
  func.func @transform_0(%arg0: i32) -> (i32, i32) {
    %c0_i32 = arith.constant 0 : i32
    %c0_i32_0 = arith.constant 0 : i32
    return %arg0, %c0_i32 : i32, i32
  }
  func.func @transform_1(%arg0: i32) -> (i32, i32) {
    %c0_i32 = arith.constant 0 : i32
    %c0_i32_0 = arith.constant 0 : i32
    %c0_i32_1 = arith.constant 0 : i32
    return %c0_i32, %c0_i32_0 : i32, i32
  }
  func.func @transform_2(%arg0: i32) -> (i32, i32) {
    %c0_i32 = arith.constant 0 : i32
    %c0_i32_0 = arith.constant 0 : i32
    return %arg0, %c0_i32 : i32, i32
  }
}

</mosaic_0001>

<sc_bundles>
// kernel: kernel.4.cloned.1.call-start
scs
__scs_entry_jumppad:
0x0: {  	(pc) =	sbr.rel $0x88, $3  }
0x1: {  	(tag) =	ssettag $0x0;
	lr =	simm.s32 $0x1  }
0x2: {  	[smem:$0x3F9F] =	sst lr;
	_ =	strace $0xD0000000  }
0x3: {  	_ = 	snop  }
0x4: {  	_ = 	snop  }
0x5: {  	_ = 	snop  }
0x6: {  	_ = 	snop  }
0x7: {  	_ = 	snop  }
__scs_overlays_trampoline_lowered:
0x8: {  	[smem:$0x3FAE] =	sst s0  }
0x9: {  	[smem:$0x3FAF] =	sst s1  }
0xa: {  	[smem:$0x3FB0] =	sst s2  }
0xb: {  	[smem:$0x3FB1] =	sst s3  }
0xc: {  	[smem:$0x3FB2] =	sst s4  }
0xd: {  	[smem:$0x3FB3] =	sst s5  }
0xe: {  	[smem:$0x3FB4] =	sst s6  }
0xf: {  	[smem:$0x3FB5] =	sst s7  }
0x10: {  	[smem:$0x3FB6] =	sst s8  }
0x11: {  	[smem:$0x3FB7] =	sst s9;
	s0 =	simm.s32 @!p0 $0x0  }
0x12: {  	s1 =	sld [smem:$0x3F9D];
	s0 =	simm.s32 @p0 $0x1  }
0x13: {  	[smem:$0x3FB8] =	sst s0;
	s0 =	simm.s32 @!p1 $0x0  }
0x14: {  	s2 =	sld [smem:$0x3F9C];
	s0 =	simm.s32 @p1 $0x1  }
0x15: {  	[smem:$0x3FB9] =	sst s0;
	s0 =	simm.s32 @!p2 $0x0  }
0x16: {  	s3 =	sld [smem:$0x3FDB];
	s0 =	simm.s32 @p2 $0x1  }
0x17: {  	s4 =	simm.s32 $0x1BF5;
	[smem:$0x3FBB] =	sst s0  }
0x18: {  	s0 =	sld [smem:$0x3F9E];
	_ =	swait.ge [sflag:s4], $0x0  }
0x19: {  	s7 =	sld [smem:$0x3F9F]  }
0x1a: {  	s8 =	sadd.s32 $0xFFFFE003, lr  }
0x1b: {  	s9 =	sadd.s32 $0xFFFFFEF7, lr;
	s5 =	simm.s32 $0xFFFFFFFF;
	p2 =	slt.u32 s8, $0xFFFFF086  }
0x1c: {  	p1 =	slt.u32 s9, $0xF7A;
	s5 =	simm.s32 @!p2 $0x0  }
0x1d: {  	s5 =	simm.s32 @p1 $0x1;
	p0 =	seq.s32 s7, s2  }
0x1e: {  	s7 =	smul.u32 @!p0 $0xF7A, s2;
	p2 =	seq.s32 @!p0 s5, $0x0  }
0x1f: {  	s9 =	smul.u32 $0xF7A, s1;
	s8 =	simm.s32 @!p0 $0x1BF5;
	p2 =	por !p2, p0  }
0x20: {  	[sflag:s8] =	ssyncset.s32 @!p0 $0xFFFFF086;
	s6 =	sadd.s32 @!p0 s3, s7;
	s7 =	simm.s32 @!p0 $0x108  }
0x21: {  	s3 =	sadd.s32 s3, s9;
	s6 =	sadd.s32 @!p0 $0x88, s6;
	s7 =	simm.s32 @p2 $0x1082  }
0x22: {  	[simem:s7], [sflag:s8] =	dma.local @!p0 [hbm:s6], $0xF7A  }
0x23: {  	s9 =	sor.u32 $0xD0000000, s2;
	s6 =	simm.s32 $0x108;
	_ =	swait.ge @!p0 [sflag:s8], $0x0  }
0x24: {  	s3 =	sadd.s32 $0x88, s3;
	s6 =	simm.s32 @!p1 $0x1082;
	[sflag:s4] =	ssyncset.s32 $0xFFFFF086  }
0x25: {  	[simem:s6], [sflag:s4] =	dma.local [hbm:s3], $0xF7A  }
0x26: {  	[smem:$0x3F9F] =	sst s1;
	(tag) =	ssettag s2;
	_ =	strace s9  }
0x27: {  	s1 =	sld [smem:$0x3FAF]  }
0x28: {  	s2 =	sld [smem:$0x3FB0]  }
0x29: {  	s4 =	sld [smem:$0x3FB2]  }
0x2a: {  	p0 =	seq.s32 s5, $0x0;
	s5 =	sld [smem:$0x3FB3]  }
0x2b: {  	s6 =	sld [smem:$0x3FB4]  }
0x2c: {  	s7 =	sld [smem:$0x3FB5]  }
0x2d: {  	s3 =	simm.s32 $0x108;
	s8 =	sld [smem:$0x3FB6]  }
0x2e: {  	s3 =	simm.s32 @!p0 $0x1082;
	s9 =	sld [smem:$0x3FB7]  }
0x2f: {  	lr =	sadd.s32 s0, s3;
	s0 =	sld [smem:$0x3FAE]  }
0x30: {  	s3 =	sld [smem:$0x3FB1]  }
0x31: {  	[smem:$0x3FBA] =	sst s10  }
0x32: {  	s10 =	sld [smem:$0x3FB8];
	_ =	sdelay $0x3  }
0x33: {  	p0 =	seq.s32 s10, $0x1;
	s10 =	sld [smem:$0x3FBA];
	_ =	sdelay $0x3  }
0x34: {  	[smem:$0x3FBA] =	sst s10  }
0x35: {  	s10 =	sld [smem:$0x3FB9];
	_ =	sdelay $0x3  }
0x36: {  	p1 =	seq.s32 s10, $0x1;
	s10 =	sld [smem:$0x3FBA];
	_ =	sdelay $0x3  }
0x37: {  	[smem:$0x3FBA] =	sst s10  }
0x38: {  	s10 =	sld [smem:$0x3FBB]  }
0x39: {  	_ = 	snop;
	(pc) =	sbr.ind lr, $3  }
0x3a: {  	_ = 	snop  }
0x3b: {  	_ = 	snop  }
0x3c: {  	p2 =	seq.s32 s10, $0x1;
	s10 =	sld [smem:$0x3FBA]  }
0x3d: {  	_ =	shalt  }
0x3e: {  	_ =	shalt  }
0x3f: {  	_ =	shalt  }
0x40: {  	_ =	shalt  }
0x41: {  	_ =	shalt  }
0x42: {  	_ =	shalt  }
0x43: {  	_ =	shalt  }
0x44: {  	_ =	shalt  }
0x45: {  	_ =	shalt  }
0x46: {  	_ =	shalt  }
0x47: {  	_ =	shalt  }
0x48: {  	_ =	shalt  }
0x49: {  	_ =	shalt  }
0x4a: {  	_ =	shalt  }
0x4b: {  	_ =	shalt  }
0x4c: {  	_ =	shalt  }
0x4d: {  	_ =	shalt  }
0x4e: {  	_ =	shalt  }
0x4f: {  	_ =	shalt  }
0x50: {  	_ =	shalt  }
0x51: {  	_ =	shalt  }
0x52: {  	_ =	shalt  }
0x53: {  	_ =	shalt  }
0x54: {  	_ =	shalt  }
0x55: {  	_ =	shalt  }
0x56: {  	_ =	shalt  }
0x57: {  	_ =	shalt  }
0x58: {  	_ =	shalt  }
0x59: {  	_ =	shalt  }
0x5a: {  	_ =	shalt  }
0x5b: {  	_ =	shalt  }
0x5c: {  	_ =	shalt  }
0x5d: {  	_ =	shalt  }
0x5e: {  	_ =	shalt  }
0x5f: {  	_ =	shalt  }
0x60: {  	_ =	shalt  }
0x61: {  	_ =	shalt  }
0x62: {  	_ =	shalt  }
0x63: {  	_ =	shalt  }
0x64: {  	_ =	shalt  }
0x65: {  	_ =	shalt  }
0x66: {  	_ =	shalt  }
0x67: {  	_ =	shalt  }
0x68: {  	_ =	shalt  }
0x69: {  	_ =	shalt  }
0x6a: {  	_ =	shalt  }
0x6b: {  	_ =	shalt  }
0x6c: {  	_ =	shalt  }
0x6d: {  	_ =	shalt  }
0x6e: {  	_ =	shalt  }
0x6f: {  	_ =	shalt  }
0x70: {  	_ =	shalt  }
0x71: {  	_ =	shalt  }
0x72: {  	_ =	shalt  }
0x73: {  	_ =	shalt  }
0x74: {  	_ =	shalt  }
0x75: {  	_ =	shalt  }
0x76: {  	_ =	shalt  }
0x77: {  	_ =	shalt  }
0x78: {  	_ =	shalt  }
0x79: {  	_ =	shalt  }
0x7a: {  	_ =	shalt  }
0x7b: {  	_ =	shalt  }
0x7c: {  	_ =	shalt  }
0x7d: {  	_ =	shalt  }
0x7e: {  	_ =	shalt  }
0x7f: {  	_ =	shalt  }
0x80: {  	_ =	shalt  }
0x81: {  	_ =	shalt  }
0x82: {  	_ =	shalt  }
0x83: {  	_ =	shalt  }
0x84: {  	_ =	shalt  }
0x85: {  	_ =	shalt  }
0x86: {  	_ =	shalt  }
0x87: {  	_ =	shalt  }
.Lfunc_end0:
.L_simem_size_0:
called_computation_lowered:
.L_overlay_start_0:
0x88: {  	s2 =	sld [smem:$0x3FD9]  }
0x89: {  	s3 =	sld [smem:$0x3FFE];
	_ =	sdelay $0x1  }
0x8a: {  	s1 =	srdreg.scid  }
0x8b: {  	s0 =	sand.u32 $0x1, s1  }
0x8c: {  	s18 =	sshll.u32 s0, $0xA;
	s2 =	sadd.s32 s3, s2  }
0x8d: {  	s2 =	sadd.s32 s2, s18  }
0x8e: {  	[smem:$0x3FC6] =	sst s2  }
0x8f: {  	_ = 	snop  }
0x90: {  	s2 =	sld [smem:$0x3FC9]  }
0x91: {  	s19 =	sld [smem:$0x3FC8]  }
0x92: {  	s4 =	sld [smem:$0x3FD0];
	(tm) =	ssettm $0x1  }
0x93: {  	s5 =	sld [smem:$0x3FFB];
	_ =	sdelay $0x3  }
0x94: {  	_ =	strace s5  }
0x95: {  	s5 =	sld [smem:$0x3FFC];
	_ =	sdelay $0x3  }
0x96: {  	_ =	strace s5  }
0x97: {  	s5 =	sld [smem:$0x3FFD];
	_ =	sdelay $0x3  }
0x98: {  	_ =	strace s5  }
0x99: {  	_ =	strace $0x8FFFFFFF  }
0x9a: {  	s20 =	sld [smem:$0x3FDB];
	_ =	sdelay $0x1  }
0x9b: {  	s6 =	simm.s32 $_scs_section_size  }
0x9c: {  	s7 =	simm.s32 $_size__tile_overlayer_lowered;
	s8 =	simm.s32 $_tile_overlayer_lowered  }
0x9d: {  	s23 =	simm.s32 $0x1BFF;
	s22 =	sshll.u32 s8, $0x1;
	s5 =	sadd.s32 s6, s20  }
0x9e: {  	s9 =	simm.s32 $0x0;
	s21 =	sshll.u32 s7, $0x1;
	s7 =	sadd.s32 s22, s5  }
0x9f: {  	[timem:s9], [sflag:s23] =	dma.local [hbm:s7], s21  }
0xa0: {  	_ =	swait.ge [sflag:s23], s21  }
0xa1: {  	s6 =	ssub.s32 $0x0, s21;
	[sflag:s23] =	ssyncset.done $0x0  }
0xa2: {  	[sflag:s23] =	ssyncadd.s32 s6;
	_ =	sdelay $0x1  }
0xa3: {  	s24 =	simm.s32 $0x1B8B  }
0xa4: {  	_ =	swait.ge [sflag:s24], $0x1  }
0xa5: {  	[sflag:s24] =	ssyncset.done $0x0  }
0xa6: {  	s25 =	simm.s32 $0x1B8E;
	[sflag:s24] =	ssyncadd.s32 $0xFFFFFFFF  }
0xa7: {  	s26 =	simm.s32 $execute0_lowered;
	[smem:$0x3FD2] =	sst s25  }
0xa8: {  	s6 =	sshll.u32 s26, $0x1;
	_ =	strace $0x80000046;
	[dreg:$0x1] =	wrdreg $0xFFFFFFFF  }
0xa9: {  	s28 =	simm.s32 $_size_execute0_lowered;
	s5 =	sadd.s32 s5, s6;
	[dreg:$0x0] =	wrdreg $0x0  }
0xaa: {  	s6 =	sshll.u32 s28, $0x1;
	[dreg:$0x2] =	wrdreg s5  }
0xab: {  	[dreg:$0x3] =	wrdreg s6  }
0xac: {  	[dreg:$0x4] =	wrdreg $0xC0  }
0xad: {  	_ =	task [dreg:s9], $0x5FFFF  }
0xae: {  	[dreg:$0x1] =	wrdreg $0xFFFFFFFF  }
0xaf: {  	[dreg:$0x0] =	wrdreg $0x60  }
0xb0: {  	[dreg:$0x2] =	wrdreg s2  }
0xb1: {  	[dreg:$0x3] =	wrdreg s19  }
0xb2: {  	[dreg:$0x4] =	wrdreg s4  }
0xb3: {  	[dreg:$0x5] =	wrdreg $0x9  }
0xb4: {  	_ =	task.clear_ibuf [dreg:s9], $0x6FFFF;
	_ =	strace $0x90000046  }
0xb5: {  	s29 =	simm.s32 $0x9;
	_ =	strace $0x8000004F  }
0xb6: {  	_ =	swait.ge [sflag:s29], $0x1  }
0xb7: {  	[sflag:s29] =	ssyncadd.s32 $0xFFFFFFFF  }
0xb8: {  	_ =	strace $0x9000004F  }
0xb9: {  	_ =	sfence  }
0xba: {  	s30 =	sld [smem:$0x0];
	_ =	sdelay $0x2  }
0xbb: {  	s31 =	sshll.u32 s1, $0xD;
	s1 =	sshrl.u32 s1, $0x2  }
0xbc: {  	s3 =	sand.u32 $0x4000, s31;
	s1 =	sadd.s32 s1, s30  }
0xbd: {  	s0 =	sor.u32 s3, s0;
	s1 =	sshll.u32 s1, $0x11  }
0xbe: {  	s0 =	sor.u32 s1, s0  }
0xbf: {  	s0 =	sadd.s32 $0x8F2B, s0  }
0xc0: {  	[sflag:s0] =	ssyncadd.remote.s32 $0x1  }
0xc1: {  	_ =	sfence.sel $0xFFFF  }
0xc2: {  	[dreg:$0x0] =	wrdreg $0xFFFFFFFF;
	(pc) =	sbr.abs _section_cstart, $3  }
0xc3: {  	[dreg:$0x1] =	wrdreg $0xFFFFFFFF  }
0xc4: {  	_ =	task.clear_ibuf [dreg:s9], $0x2FFFF;
	_ =	strace $0x9FFFFFFF  }
0xc5: {  	(tm) =	ssettm $0x7FFFFFFF  }
tec
execute0_lowered:
.L_overlay_start_1:
0x0: {  	(tag) =	ssettag $0x1  }
0x1: {  	s1 =	rddreg [dreg:$0x0]  }
0x2: {  	s0 =	srdreg.scid;
	s3 =	rddreg [dreg:$0x1]  }
0x3: {  	s4 =	rddreg [dreg:$0x2];
	s6 =	sand.u32 $0x1, s0  }
0x4: {  	s5 =	simm.s32 $0x0;
	s0 =	stileid.u32;
	s2 =	sshll.u32 s6, $0x4  }
0x5: {  	s10 =	simm.s32 $0x1;
	s11 =	simm.s32 $0x4;
	s7 =	sor.u32 s0, s2  }
0x6: {  	s12 =	simm.s32 $0x0;
	[smem:$0x7FF] =	sst s5;
	s8 =	smul.u32 $0x30000, s7  }
0x7: {  	s25 =	simm.s32 $0x1;
	s6 =	ssub.s32 $0x2, s6;
	s2 =	rddreg [dreg:$0x3]  }
0x8: {  	_ =	strace $0x80000047;
	s9 =	sshrl.u32 s6, $0x1;
	s8 =	sshrl.u32 s8, $0x3  }
0x9: {  	s9 =	ssub.s32 s6, s9;
	s6 =	smul.u32 $0x6, s7;
	s31 =	sadd.s32 s1, s8  }
0xa: {  	s8 =	smax.u32 s9, $0x1;
	s9 =	simm.s32 $0x80;
	s7 =	sadd.s32 $0x140000, s31  }
.LBB2_1:
0xb: {  	[tilespmem:s5], [sflag:$0x1] =	stream.linear.gather [hbm4b:s3+s5], $0x80, $0x38;
	[tilespmem:$0x12080] =	vst v63  }
0xc: {  	_ =	swait.ge [sflag:s10], $0x80  }
0xd: {  	[sflag:s10] =	ssyncset.done $0x0  }
0xe: {  	s13 =	simm.s32 $0x0;
	s14 =	simm.s32 $0x0;
	[sflag:s10] =	ssyncadd.s32 $0xFFFFFF80  }
0xf: {  	s15 =	simm.s32 $0x0;
	s16 =	simm.s32 $0x0;
	_ =	strace $0x80000048  }
0x10: {  	[tilespmem:s9], [sflag:$0x1] =	stream.linear.gather [hbm4b:s7+s5], $0x8000, $0x200038;
	[tilespmem:$0x12080] =	vst v63  }
0x11: {  	s17 =	simm.s32 $0x1;
	s18 =	simm.s32 $0x0;
	_ =	strace $0x90000048  }
.LBB2_2:
0x12: {  	s22 =	smov.u32 s13;
	s13 =	sadd.s32 $0x1, s13  }
0x13: {  	p0 =	seq.s32 s13, $0x6  }
0x14: {  	s13 =	simm.s32 @p0 $0x0  }
0x15: {  	p6 =	sne.s32 s18, $0x5;
	p1 =	sne.s32 s22, s13  }
0x16: {  	p0 =	por !p6, !p1  }
0x17: {  	p0 =	por !p0, !p0  }
0x18: {  	s19 =	sadd.s32 @p0 s6, s13  }
0x19: {  	s19 =	sshll.u32 @p0 s19, $0xF  }
0x1a: {  	s20 =	sand.u32 @p0 $0x1, s17;
	_ =	strace @p0 $0x80000049;
	s19 =	sadd.s32 @p0 $0xA00000, s19  }
0x1b: {  	s23 =	simm.s32 @p0 $0x0;
	s21 =	sshll.u32 @p0 s20, $0xF;
	s19 =	sshrl.u32 @p0 s19, $0x3  }
0x1c: {  	s20 =	sadd.s32 @p0 $0x1, s20;
	s21 =	sor.u32 @p0 $0x80, s21;
	s19 =	sadd.s32 @p0 s1, s19  }
0x1d: {  	[tilespmem:s21], [sflag:s20] =	stream.linear.gather @p0 [hbm4b:s19+s23], $0x8000, $0x200038;
	[tilespmem:$0x12080] =	vst v63  }
0x1e: {  	s29 =	sand.u32 $0x1, s16;
	_ =	strace @p0 $0x90000049  }
0x1f: {  	s19 =	sadd.s32 $0x1, s29;
	_ =	strace $0x8000004A  }
0x20: {  	_ =	swait.ge [sflag:s19], $0x8000  }
0x21: {  	[sflag:s19] =	ssyncset.done $0x0  }
0x22: {  	[sflag:s19] =	ssyncadd.s32 $0xFFFF8000  }
0x23: {  	_ =	strace $0x9000004A  }
0x24: {  	_ =	strace $0x8000004B  }
0x25: {  	v0 =	vld [tilespmem:$0x0];
	_ =	sdelay $0x3  }
0x26: {  	s30 =	simm.s32 $0x0  }
0x27: {  	v2 =	vmov s30;
	v1 =	vshll.u32 v0, $0x3  }
0x28: {  	v4 =	vshll.u32 v2, $0xA;
	v3 =	vld [tilespmem:$0x10];
	v0 =	vand.u32 $0x7F, v0;
	v1 =	vand.u32 $0xFFFFFC00, v1  }
0x29: {  	v8 =	vand.u32 $0x6000, v4;
	v0 =	vor.u32 v0, v1;
	v1 =	vshll.u32 v2, $0x7  }
0x2a: {  	v10 =	vand.u32 $0x380, v1;
	v1 =	vadd.s32 v0, v8  }
0x2b: {  	v2 =	vor.u32 v10, v1;
	_ =	sdelay $0x1  }
0x2c: {  	s31 =	sshll.u32 s16, $0xF;
	v1 =	vshll.u32 v3, $0x3  }
0x2d: {  	s19 =	sand.u32 $0x8000, s31;
	v4 =	vld [tilespmem:$0x20];
	v3 =	vand.u32 $0x7F, v3;
	v1 =	vand.u32 $0xFFFFFC00, v1  }
0x2e: {  	s20 =	sor.u32 $0x80, s19;
	v1 =	vor.u32 v3, v1  }
0x2f: {  	v3 =	vld.idx.msk [tilespmem:v2+s20+$0x0], $0xffff;
	v2 =	vadd.s32 v1, v8  }
0x30: {  	v5 =	vld [tilespmem:$0x30];
	v7 =	vor.u32 v10, v2  }
0x31: {  	s19 =	sand.u32 $0x1, s15;
	v6 =	vld [tilespmem:$0x40]  }
0x32: {  	s24 =	sshll.u32 s19, $0xC;
	v9 =	vld [tilespmem:$0x50];
	v2 =	vshll.u32 v4, $0x3  }
0x33: {  	v11 =	vld [tilespmem:$0x60];
	s21 =	sor.u32 $0x100C0, s24;
	v4 =	vand.u32 $0x7F, v4;
	v2 =	vand.u32 $0xFFFFFC00, v2  }
0x34: {  	v12 =	vld [tilespmem:$0x70];
	v2 =	vor.u32 v4, v2;
	[tilespmem:s21+$0xFFFFFFC0] =	vst v3  }
0x35: {  	v3 =	vadd.s32 v2, v8;
	v4 =	vld.idx.msk [tilespmem:v7+s20+$0x0], $0xffff  }
0x36: {  	v7 =	vor.u32 v10, v3;
	_ =	sdelay $0x1  }
0x37: {  	v3 =	vshll.u32 v5, $0x3  }
0x38: {  	v5 =	vand.u32 $0x7F, v5;
	v3 =	vand.u32 $0xFFFFFC00, v3  }
0x39: {  	v3 =	vor.u32 v5, v3;
	[tilespmem:s21+$0xFFFFFFD0] =	vst v4  }
0x3a: {  	v4 =	vadd.s32 v3, v8;
	v5 =	vld.idx.msk [tilespmem:v7+s20+$0x0], $0xffff  }
0x3b: {  	v7 =	vor.u32 v10, v4;
	_ =	sdelay $0x1  }
0x3c: {  	v4 =	vshll.u32 v6, $0x3  }
0x3d: {  	v6 =	vand.u32 $0x7F, v6;
	v4 =	vand.u32 $0xFFFFFC00, v4  }
0x3e: {  	v4 =	vor.u32 v6, v4;
	[tilespmem:s21+$0xFFFFFFE0] =	vst v5  }
0x3f: {  	v5 =	vadd.s32 v4, v8;
	v6 =	vld.idx.msk [tilespmem:v7+s20+$0x0], $0xffff  }
0x40: {  	v7 =	vor.u32 v10, v5;
	_ =	sdelay $0x1  }
0x41: {  	v5 =	vshll.u32 v9, $0x3  }
0x42: {  	v9 =	vand.u32 $0x7F, v9;
	v5 =	vand.u32 $0xFFFFFC00, v5  }
0x43: {  	v5 =	vor.u32 v9, v5;
	[tilespmem:s21+$0xFFFFFFF0] =	vst v6  }
0x44: {  	v6 =	vadd.s32 v5, v8;
	v7 =	vld.idx.msk [tilespmem:v7+s20+$0x0], $0xffff  }
0x45: {  	v9 =	vor.u32 v10, v6;
	_ =	sdelay $0x1  }
0x46: {  	v6 =	vshll.u32 v11, $0x3  }
0x47: {  	v11 =	vand.u32 $0x7F, v11;
	v6 =	vand.u32 $0xFFFFFC00, v6  }
0x48: {  	v6 =	vor.u32 v11, v6;
	[tilespmem:s21+$0x0] =	vst v7  }
0x49: {  	v7 =	vadd.s32 v6, v8;
	v9 =	vld.idx.msk [tilespmem:v9+s20+$0x0], $0xffff  }
0x4a: {  	v11 =	vor.u32 v10, v7;
	_ =	sdelay $0x1  }
0x4b: {  	v7 =	vshll.u32 v12, $0x3  }
0x4c: {  	v12 =	vand.u32 $0x7F, v12;
	v7 =	vand.u32 $0xFFFFFC00, v7  }
0x4d: {  	v7 =	vor.u32 v12, v7;
	[tilespmem:s21+$0x10] =	vst v9  }
0x4e: {  	v8 =	vadd.s32 v7, v8;
	v9 =	vld.idx.msk [tilespmem:v11+s20+$0x0], $0xffff  }
0x4f: {  	v8 =	vor.u32 v10, v8;
	_ =	sdelay $0x2  }
0x50: {  	s23 =	sadd.s32 s6, s22;
	s22 =	sor.u32 $0x10080, s24;
	s24 =	simm.s32 $0x2;
	v10 =	vmov s25  }
.LBB2_3:
0x51: {  	p2 =	sne.s32 s24, $0x1F;
	v11 =	vshll.u32 v10, $0xA;
	[tilespmem:s21+$0x20] =	vst v9  }
0x52: {  	v9 =	vshll.u32 v10, $0x7;
	v11 =	vand.u32 $0x6000, v11;
	v8 =	vld.idx.msk [tilespmem:v8+s20+$0x0], $0xffff  }
0x53: {  	v10 =	vand.u32 $0x380, v9;
	v9 =	vadd.s32 v0, v11  }
0x54: {  	v9 =	vor.u32 v10, v9;
	_ =	sdelay $0x3  }
0x55: {  	[tilespmem:s21+$0x30] =	vst v8  }
0x56: {  	v8 =	vld.idx.msk [tilespmem:v9+s20+$0x0], $0xffff  }
0x57: {  	v9 =	vadd.s32 v1, v11  }
0x58: {  	v9 =	vor.u32 v10, v9;
	_ =	sdelay $0x2  }
0x59: {  	s21 =	sadd.s32 $0x80, s21  }
0x5a: {  	[tilespmem:s21+$0xFFFFFFC0] =	vst v8  }
0x5b: {  	v8 =	vld.idx.msk [tilespmem:v9+s20+$0x0], $0xffff  }
0x5c: {  	v9 =	vadd.s32 v2, v11  }
0x5d: {  	v9 =	vor.u32 v10, v9;
	_ =	sdelay $0x3  }
0x5e: {  	[tilespmem:s21+$0xFFFFFFD0] =	vst v8  }
0x5f: {  	v8 =	vld.idx.msk [tilespmem:v9+s20+$0x0], $0xffff  }
0x60: {  	v9 =	vadd.s32 v3, v11  }
0x61: {  	v9 =	vor.u32 v10, v9;
	_ =	sdelay $0x3  }
0x62: {  	[tilespmem:s21+$0xFFFFFFE0] =	vst v8  }
0x63: {  	v8 =	vld.idx.msk [tilespmem:v9+s20+$0x0], $0xffff  }
0x64: {  	v9 =	vadd.s32 v4, v11  }
0x65: {  	v9 =	vor.u32 v10, v9;
	_ =	sdelay $0x3  }
0x66: {  	[tilespmem:s21+$0xFFFFFFF0] =	vst v8  }
0x67: {  	v8 =	vld.idx.msk [tilespmem:v9+s20+$0x0], $0xffff  }
0x68: {  	v9 =	vadd.s32 v5, v11  }
0x69: {  	v9 =	vor.u32 v10, v9;
	_ =	sdelay $0x3  }
0x6a: {  	[tilespmem:s21+$0x0] =	vst v8  }
0x6b: {  	v8 =	vld.idx.msk [tilespmem:v9+s20+$0x0], $0xffff  }
0x6c: {  	v9 =	vadd.s32 v6, v11  }
0x6d: {  	v9 =	vor.u32 v10, v9;
	_ =	sdelay $0x3  }
0x6e: {  	[tilespmem:s21+$0x10] =	vst v8  }
0x6f: {  	v9 =	vld.idx.msk [tilespmem:v9+s20+$0x0], $0xffff  }
.Ltmp0:
0x70: {  	v8 =	vadd.s32 v7, v11;
	(pc) =	sbr.rel @p2 .LBB2_3-.Ltmp0, $2  }
0x71: {  	v8 =	vor.u32 v10, v8;
	_ =	sdelay $0x2  }
0x72: {  	v10 =	vmov s24;
	s24 =	sadd.s32 $0x1, s24  }
0x73: {  	_ =	sdelay $0x1  }
0x74: {  	v11 =	vshll.u32 v10, $0xA  }
0x75: {  	[tilespmem:s21+$0x20] =	vst v9;
	v57 =	vshll.u32 v10, $0x7;
	v56 =	vand.u32 $0x6000, v11  }
0x76: {  	v8 =	vld.idx.msk [tilespmem:v8+s20+$0x0], $0xffff;
	v10 =	vand.u32 $0x380, v57;
	v0 =	vadd.s32 v0, v56  }
0x77: {  	v0 =	vor.u32 v10, v0;
	_ =	sdelay $0x3  }
0x78: {  	[tilespmem:s21+$0x30] =	vst v8  }
0x79: {  	v1 =	vadd.s32 v1, v56;
	v0 =	vld.idx.msk [tilespmem:v0+s20+$0x0], $0xffff  }
0x7a: {  	v1 =	vor.u32 v10, v1;
	_ =	sdelay $0x2  }
0x7b: {  	s31 =	sadd.s32 $0x80, s21  }
0x7c: {  	[tilespmem:s31+$0xFFFFFFC0] =	vst v0  }
0x7d: {  	v58 =	vadd.s32 v2, v56;
	v0 =	vld.idx.msk [tilespmem:v1+s20+$0x0], $0xffff  }
0x7e: {  	v1 =	vor.u32 v10, v58;
	_ =	sdelay $0x3  }
0x7f: {  	[tilespmem:s31+$0xFFFFFFD0] =	vst v0  }
0x80: {  	v59 =	vadd.s32 v3, v56;
	v0 =	vld.idx.msk [tilespmem:v1+s20+$0x0], $0xffff  }
0x81: {  	v1 =	vor.u32 v10, v59;
	_ =	sdelay $0x3  }
0x82: {  	[tilespmem:s31+$0xFFFFFFE0] =	vst v0  }
0x83: {  	v60 =	vadd.s32 v4, v56;
	v0 =	vld.idx.msk [tilespmem:v1+s20+$0x0], $0xffff  }
0x84: {  	v1 =	vor.u32 v10, v60;
	_ =	sdelay $0x3  }
0x85: {  	[tilespmem:s31+$0xFFFFFFF0] =	vst v0  }
0x86: {  	v61 =	vadd.s32 v5, v56;
	v0 =	vld.idx.msk [tilespmem:v1+s20+$0x0], $0xffff  }
0x87: {  	v1 =	vor.u32 v10, v61;
	_ =	sdelay $0x3  }
0x88: {  	[tilespmem:s31+$0x0] =	vst v0  }
0x89: {  	v62 =	vadd.s32 v6, v56;
	v0 =	vld.idx.msk [tilespmem:v1+s20+$0x0], $0xffff  }
0x8a: {  	v1 =	vor.u32 v10, v62;
	_ =	sdelay $0x3  }
0x8b: {  	[tilespmem:s31+$0x10] =	vst v0  }
0x8c: {  	v63 =	vadd.s32 v7, v56;
	v0 =	vld.idx.msk [tilespmem:v1+s20+$0x0], $0xffff  }
0x8d: {  	v1 =	vor.u32 v10, v63;
	_ =	sdelay $0x3  }
0x8e: {  	[tilespmem:s31+$0x20] =	vst v0  }
0x8f: {  	v0 =	vld.idx.msk [tilespmem:v1+s20+$0x0], $0xffff;
	_ =	sdelay $0x1  }
0x90: {  	p2 =	seq.s32 s18, $0x5  }
0x91: {  	p1 =	por p2, p1  }
0x92: {  	s19 =	sadd.s32 @p1 $0x3, s19;
	s21 =	simm.s32 $0x1;
	s20 =	sshll.u32 @p1 s23, $0xC  }
0x93: {  	s21 =	simm.s32 @!p0 $0x0;
	p0 =	seq.s32 s18, $0x0;
	s20 =	sadd.s32 @p1 $0x140000, s20;
	[tilespmem:s31+$0x30] =	vst v0  }
0x94: {  	s17 =	sadd.s32 s21, s17;
	s20 =	sshrl.u32 @p1 s20, $0x3;
	_ =	strace $0x9000004B  }
0x95: {  	s23 =	simm.s32 @p1 $0x0;
	s20 =	sadd.s32 @p1 s4, s20;
	_ =	strace @p1 $0x8000004C  }
0x96: {  	[hbm4b:s20+s23] =	stream.linear.scatter @p1 [tilespmem:s22], [sflag:s19], $0x1000, $0x200038;
	[tilespmem:$0x12080] =	vst v63  }
0x97: {  	s21 =	simm.s32 $0x1;
	s19 =	simm.s32 $0x1;
	_ =	strace @p1 $0x9000004C  }
0x98: {  	s19 =	simm.s32 @!p1 $0x0;
	p1 =	sne.s32 s18, $0x0;
	s18 =	sadd.s32 $0x1, s18  }
0x99: {  	s20 =	sand.u32 @!p0 $0x1, s14;
	s21 =	simm.s32 @!p1 $0x0;
	p1 =	sne.s32 s18, $0x6  }
.Ltmp1:
0x9a: {  	s20 =	sadd.s32 @!p0 $0x3, s20;
	_ =	strace @!p0 $0x8000004D;
	(pc) =	sbr.rel @p1 .LBB2_2-.Ltmp1, $4  }
0x9b: {  	_ =	swait.ge @!p0 [sflag:s20], $0x1000  }
0x9c: {  	[sflag:s20] =	ssyncset.done @!p0 $0x0  }
0x9d: {  	s15 =	sadd.s32 s19, s15;
	[sflag:s20] =	ssyncadd.s32 @!p0 $0xFFFFF000  }
0x9e: {  	s16 =	sadd.s32 s19, s16;
	s14 =	sadd.s32 s21, s14;
	_ =	strace @!p0 $0x9000004D  }
0x9f: {  	s12 =	sadd.s32 $0x1, s12  }
0xa0: {  	p0 =	sne.s32 s12, s8  }
.Ltmp2:
0xa1: {  	_ =	strace $0x8000004E;
	(pc) =	sbr.rel @p0 .LBB2_1-.Ltmp2, $4  }
0xa2: {  	_ =	swait.ge [sflag:s11], $0x1000  }
0xa3: {  	[sflag:s11] =	ssyncset.done $0x0  }
0xa4: {  	[sflag:s11] =	ssyncadd.s32 $0xFFFFF000  }
0xa5: {  	_ =	strace $0x9000004E  }
0xa6: {  	_ =	sfence.sel $0x180000  }
0xa7: {  	[bflag:$0x0] =	sbarrier.arrive $0xFFFF  }
0xa8: {  	p0 =	sne.s32 s0, $0x0;
	_ =	strace $0x90000047  }
0xa9: {  	s0 =	sadd.s32 @!p0 $0x100000, s2;
	[bflag:$0x2] =	sbarrier.arrive $0xFFFF  }
0xaa: {  	[sflag:s0] =	ssyncadd.tile.s32 @!p0 $0x1;
	_ =	shalt  }
.Lfunc_end2:
_tile_overlayer_lowered:
.L_overlay_start_2:
0xab: {  	(tag) =	ssettag $0x2  }
0xac: {  	s0 =	rddreg [dreg:$0x0];
	s2 =	stileid.u32  }
0xad: {  	s1 =	rddreg [dreg:$0x1];
	p0 =	sne.s32 s2, $0x0  }
0xae: {  	s3 =	rddreg [dreg:$0x2];
	[bflag:$0x3] =	sbarrier.arrive $0xFFFF;
	s2 =	simm.s32 @!p0 $0x1C01  }
0xaf: {  	[timem:s3], [sflag:s2] =	dma.local @!p0 [hbm:s0], s1  }
0xb0: {  	s0 =	simm.s32 @!p0 $0x1  }
0xb1: {  	_ =	swait.ge @!p0 [sflag:s0], s1  }
0xb2: {  	s1 =	ssub.s32 @!p0 $0x0, s1;
	[sflag:s0] =	ssyncset.done @!p0 $0x0  }
0xb3: {  	[sflag:s0] =	ssyncadd.s32 @!p0 s1  }
0xb4: {  	[bflag:$0x3] =	sbarrier.arrive $0xFFFF  }
0xb5: {  	_ =	shalt  }

</sc_bundles>
